<compile_context>
chip_gen: v7x
topology: tpu7x:2x2x1
jax: 0.10.2.dev20260603
libtpu: 0.0.44.dev20260713+nightly
codegen_flags: <defaults>
</compile_context>

<pallas_src>
import functools

import jax
import jax.numpy as jnp
from jax import lax
from jax.experimental import pallas as pl
from jax.experimental.pallas import tpu as pltpu
from jax.experimental.pallas import tpu_sc as plsc

_N_TYPES = 2
_N_PAIR_TYPES = 3
_BATCH, _N_ATOMS, _N_NEIGH = 16, 512, 64

_L = 16
_NC, _NS = 2, 16
_NW = _NC * _NS
_ATOMS_PER_W = _BATCH * _N_ATOMS // _NW
_GROUPS = _ATOMS_PER_W // _L
_CHUNKS = _N_NEIGH // _L


def _vsqrt(x):
    xi = lax.bitcast_convert_type(x, jnp.int32)
    seed = jnp.full((_L,), 0x5F3759DF, jnp.int32) - lax.shift_right_arithmetic(
        xi, jnp.full((_L,), 1, jnp.int32))
    y = lax.bitcast_convert_type(seed, jnp.float32)
    half, three_half = jnp.float32(0.5), jnp.float32(1.5)
    for _ in range(3):
        y = y * (three_half - half * x * y * y)
    return x * y


def _eam_body(d_hbm, pt_hbm, ty_hbm, par_hbm, out_hbm, d_v, pt_v, ty_v, par_v, res_v):
    wid = lax.axis_index("s") * _NC + lax.axis_index("c")
    b = wid // 2
    half = wid % 2
    a0 = half * _ATOMS_PER_W
    pltpu.sync_copy(d_hbm.at[b, pl.ds(a0, _ATOMS_PER_W), :], d_v)
    pltpu.sync_copy(pt_hbm.at[b, pl.ds(a0, _ATOMS_PER_W), :], pt_v)
    pltpu.sync_copy(ty_hbm.at[b, pl.ds(a0, _ATOMS_PER_W)], ty_v)
    pltpu.sync_copy(par_hbm, par_v)

    pv = par_v[...]

    def bcast(i):
        return jnp.full((_L,), pv[i], jnp.float32)

    lnA = [bcast(0), bcast(1), bcast(2)]
    pp = [bcast(3), bcast(4), bcast(5)]
    lnX = [bcast(6), bcast(7), bcast(8)]
    qq = [bcast(9), bcast(10), bcast(11)]
    d0v, d1v = bcast(12), bcast(13)

    iota = lax.iota(jnp.int32, _L)
    zero = jnp.zeros((_L,), jnp.float32)
    one = jnp.full((_L,), 1, jnp.int32)
    c3 = jnp.full((_L,), 3, jnp.int32)
    c6 = jnp.full((_L,), 6, jnp.int32)
    c9 = jnp.full((_L,), 9, jnp.int32)

    def chunk(a, k, pacc, racc):
        d = d_v[a, pl.ds(k * _L, _L)]
        ptv = pt_v[a, pl.ds(k * _L, _L)]
        la = plsc.load_gather(par_v, [ptv])
        p = plsc.load_gather(par_v, [ptv + c3])
        lx = plsc.load_gather(par_v, [ptv + c6])
        q = plsc.load_gather(par_v, [ptv + c9])
        pacc = pacc + jnp.exp(la - p * d)
        racc = racc + jnp.exp(lx - q * d)
        return pacc, racc

    def group_body(g, carry):
        acc_phi, acc_emb = carry

        def atom_body(ah, carry2):
            acc2, m = carry2
            a = ah * 2
            pacc, racc = zero, zero
            pacc2, racc2 = zero, zero
            for k in range(_CHUNKS):
                pacc, racc = chunk(g * _L + a, k, pacc, racc)
                pacc2, racc2 = chunk(g * _L + a + 1, k, pacc2, racc2)
            tot = jnp.sum(racc)
            tot2 = jnp.sum(racc2)
            m = jnp.where(iota == a, tot, m)
            m = jnp.where(iota == a + 1, tot2, m)
            return acc2 + pacc + pacc2, m

        acc_phi, m = lax.fori_loop(0, _L // 2, atom_body, (acc_phi, zero))
        sq = _vsqrt(m)
        tyv = ty_v[pl.ds(pl.multiple_of(g * _L, _L), _L)]
        dsel = jnp.where(tyv == one, d1v, d0v)
        acc_emb = acc_emb - dsel * sq
        return acc_phi, acc_emb

    acc_phi, acc_emb = lax.fori_loop(0, _GROUPS, group_body, (zero, zero))
    res_v[...] = (acc_phi + acc_emb) * jnp.float32(1.0 / _N_ATOMS)
    pltpu.sync_copy(res_v, out_hbm.at[b, pl.ds(half * _L, _L)])


@jax.jit
def _eam_call(d3, pt3, ty2, par):
    mesh = plsc.VectorSubcoreMesh(core_axis_name="c", subcore_axis_name="s")
    run = functools.partial(
        pl.kernel,
        mesh=mesh,
        compiler_params=pltpu.CompilerParams(needs_layout_passes=False),
        out_type=jax.ShapeDtypeStruct((_BATCH, 2 * _L), jnp.float32),
        scratch_types=[
            pltpu.VMEM((_ATOMS_PER_W, _N_NEIGH), jnp.float32),
            pltpu.VMEM((_ATOMS_PER_W, _N_NEIGH), jnp.int32),
            pltpu.VMEM((_ATOMS_PER_W,), jnp.int32),
            pltpu.VMEM((_L,), jnp.float32),
            pltpu.VMEM((_L,), jnp.float32),
        ],
    )(_eam_body)
    return run(d3, pt3, ty2, par)


def kernel(types, distances, pair_types, phi_params, rho_params, emb_params):
    par = jnp.concatenate([
        jnp.log(phi_params[:, 0]), phi_params[:, 1],
        jnp.log(rho_params[:, 0]), rho_params[:, 1],
        emb_params.astype(jnp.float32), jnp.zeros((2,), jnp.float32),
    ]).astype(jnp.float32)
    partials = _eam_call(distances, pair_types.astype(jnp.int32),
                         types.astype(jnp.int32), par)
    return partials.sum(axis=1, keepdims=True)

# --- scband reference (transcript-rebuilt; emitter-appended) ---
"""Pipeline reference for scband-eampotential-1692217114988 (READ-ONLY COPY).

The authoritative reference and input builder live on the scoring server;
editing this copy changes nothing except your own understanding.
"""

import jax, jax.numpy as jnp
import numpy as np

N_TYPES = 2
N_PAIR_TYPES = 3
BATCH, N_ATOMS, N_NEIGH = 16, 512, 64


def setup_inputs(seed: int = 0) -> dict:
    key = jax.random.key(seed)
    k1, k2, k3, k4, k5, k6 = jax.random.split(key, 6)
    types = jax.random.randint(k1, (BATCH, N_ATOMS), 0, N_TYPES)
    distances = jax.random.uniform(k2, (BATCH, N_ATOMS, N_NEIGH), minval=1.0, maxval=5.0, dtype=jnp.float32)
    pair_types = jax.random.randint(k3, (BATCH, N_ATOMS, N_NEIGH), 0, N_PAIR_TYPES)
    # learned parameters of the EAM functions (one 'expert' per pair type / atom type)
    # pair potential phi_t(r) = A_t * exp(-p_t * r); density rho_t(r) = xi_t * exp(-q_t * r)
    phi_params = jax.random.uniform(k4, (N_PAIR_TYPES, 2), minval=0.5, maxval=2.0, dtype=jnp.float32)
    rho_params = jax.random.uniform(k5, (N_PAIR_TYPES, 2), minval=0.5, maxval=2.0, dtype=jnp.float32)
    # embedding F_t(rho) = -D_t * sqrt(rho)
    emb_params = jax.random.uniform(k6, (N_TYPES,), minval=0.5, maxval=2.0, dtype=jnp.float32)
    return {"types": types, "distances": distances, "pair_types": pair_types,
            "phi_params": phi_params, "rho_params": rho_params, "emb_params": emb_params}


def reference(types, distances, pair_types, phi_params, rho_params, emb_params):
    # body_partition_stitch: route each pair distance to its pair-type expert
    # (dynamic_partition + per-expert fn + dynamic_stitch == masked expert application)
    phi = jnp.zeros_like(distances)
    rho = jnp.zeros_like(distances)
    for pt in range(N_PAIR_TYPES):
        mask = (pair_types == pt)
        phi_pt = phi_params[pt, 0] * jnp.exp(-phi_params[pt, 1] * distances)
        rho_pt = rho_params[pt, 0] * jnp.exp(-rho_params[pt, 1] * distances)
        phi = jnp.where(mask, phi_pt, phi)
        rho = jnp.where(mask, rho_pt, rho)
    # sum over neighbors (reduce over ragged inner axis)
    sum_phi = jnp.sum(phi, axis=-1)  # [B, N]
    sum_rho = jnp.sum(rho, axis=-1)  # [B, N]
    # route per-atom summed density to atom-type embedding expert
    emb = jnp.zeros_like(sum_rho)
    for t in range(N_TYPES):
        mask = (types == t)
        F_t = -emb_params[t] * jnp.sqrt(sum_rho)
        emb = jnp.where(mask, F_t, emb)
    atomic_energies = sum_phi + emb
    energy = jnp.sum(atomic_energies, axis=-1, keepdims=True)  # [B, 1]
    number_of_atoms = jnp.asarray(types.shape[1], energy.dtype)
    energy_per_atom = energy / number_of_atoms
    return energy_per_atom

if __name__ == "__main__":
    import jax
    _d = setup_inputs()
    print(jax.jit(kernel)(*tuple(_d.values())))

</pallas_src>

<mosaic_0001>
#map = affine_map<(d0, d1) -> (0, 0, 0)>
#map1 = affine_map<(d0, d1) -> (0, 0)>
#map2 = affine_map<(d0, d1) -> (0)>
module attributes {stable_mosaic.version = 14 : i64} {
  func.func @_eam_body(%arg0: i32, %arg1: i32, %arg2: memref<16x512x64xf32, #tpu.memory_space<hbm>>, %arg3: memref<16x512x64xi32, #tpu.memory_space<hbm>>, %arg4: memref<16x512xi32, #tpu.memory_space<hbm>>, %arg5: memref<16xf32, #tpu.memory_space<hbm>>, %arg6: memref<16x32xf32, #tpu.memory_space<hbm>>, %arg7: memref<256x64xf32, #tpu.memory_space<vmem>>, %arg8: memref<256x64xi32, #tpu.memory_space<vmem>>, %arg9: memref<256xi32, #tpu.memory_space<vmem>>, %arg10: memref<16xf32, #tpu.memory_space<vmem>>, %arg11: memref<16xf32, #tpu.memory_space<vmem>>) attributes {dimension_semantics = [#tpu.dimension_semantics<core_parallel>, #tpu.dimension_semantics<subcore_parallel>], iteration_bounds = array<i64: 2, 16>, scalar_prefetch = 0 : i64, scratch_operands = 5 : i64, tpu.core_type = #tpu.core_type<sc_vector_subcore>, window_params = [{transform_indices = #map}, {transform_indices = #map}, {transform_indices = #map1}, {transform_indices = #map2}, {transform_indices = #map1}]} {
    %mul3A = arith.constant 2 : i32
    %mul3A_0 = arith.muli %arg1, %mul3A : i32
    %add3A = arith.addi %mul3A_0, %arg0 : i32
    %jit3A = arith.constant 2 : i32
    %div3A = arith.divsi %add3A, %jit3A : i32
    %sign3A = arith.constant 0 : i32
    %sign3A_1 = arith.cmpi sgt, %add3A, %sign3A : i32
    %sign3A_2 = arith.extui %sign3A_1 : i1 to i32
    %sign3A_3 = arith.constant 0 : i32
    %sign3A_4 = arith.cmpi slt, %add3A, %sign3A_3 : i32
    %sign3A_5 = arith.extui %sign3A_4 : i1 to i32
    %sign3A_6 = arith.subi %sign3A_2, %sign3A_5 : i32
    %sign3A_7 = arith.constant 0 : i32
    %sign3A_8 = arith.cmpi sgt, %jit3A, %sign3A_7 : i32
    %sign3A_9 = arith.extui %sign3A_8 : i1 to i32
    %sign3A_10 = arith.constant 0 : i32
    %sign3A_11 = arith.cmpi slt, %jit3A, %sign3A_10 : i32
    %sign3A_12 = arith.extui %sign3A_11 : i1 to i32
    %sign3A_13 = arith.subi %sign3A_9, %sign3A_12 : i32
    %ne3A = arith.cmpi ne, %sign3A_6, %sign3A_13 : i32
    %rem3A = arith.remsi %add3A, %jit3A : i32
    %ne3A_14 = arith.constant 0 : i32
    %ne3A_15 = arith.cmpi ne, %rem3A, %ne3A_14 : i32
    %and3A = arith.andi %ne3A, %ne3A_15 : i1
    %sub3A = arith.constant 1 : i32
    %sub3A_16 = arith.subi %div3A, %sub3A : i32
    %select_n3A = arith.select %and3A, %sub3A_16, %div3A : i32
    %jit3A_17 = arith.constant 2 : i32
    %eq3A = arith.constant 0 : i32
    %eq3A_18 = arith.cmpi eq, %jit3A_17, %eq3A : i32
    %jit3A_19 = arith.constant 1 : i32
    %select_n3A_20 = arith.select %eq3A_18, %jit3A_19, %jit3A_17 : i32
    %rem3A_21 = arith.remsi %add3A, %select_n3A_20 : i32
    %ne3A_22 = arith.constant 0 : i32
    %ne3A_23 = arith.cmpi ne, %rem3A_21, %ne3A_22 : i32
    %lt3A = arith.constant 0 : i32
    %lt3A_24 = arith.cmpi slt, %rem3A_21, %lt3A : i32
    %lt3A_25 = arith.constant 0 : i32
    %lt3A_26 = arith.cmpi slt, %select_n3A_20, %lt3A_25 : i32
    %ne3A_27 = arith.xori %lt3A_24, %lt3A_26 : i1
    %and3A_28 = arith.andi %ne3A_27, %ne3A_23 : i1
    %add3A_29 = arith.addi %rem3A_21, %select_n3A_20 : i32
    %select_n3A_30 = arith.select %and3A_28, %add3A_29, %rem3A_21 : i32
    %mul3A_31 = arith.constant 256 : i32
    %mul3A_32 = arith.muli %select_n3A_30, %mul3A_31 : i32
    "tpu.region"() ({
      %run_scoped3A = tpu.sem_alloc : memref<!tpu.dma_semaphore, #tpu.memory_space<semaphore_mem>>
      %dma_start3A = arith.constant 0 : i32
      %dma_start3A_95 = tpu.memref_slice %arg2[%select_n3A, %mul3A_32, %dma_start3A] : memref<16x512x64xf32, #tpu.memory_space<hbm>> -> memref<1x256x64xf32, #tpu.memory_space<hbm>>
      %dma_start3A_96 = tpu.memref_squeeze %dma_start3A_95 : memref<1x256x64xf32, #tpu.memory_space<hbm>> -> memref<256x64xf32, #tpu.memory_space<hbm>>
      %dma_start3A_97 = arith.constant 0 : i32
      %dma_start3A_98 = tpu.memref_slice %arg2[%select_n3A, %mul3A_32, %dma_start3A_97] : memref<16x512x64xf32, #tpu.memory_space<hbm>> -> memref<1x256x64xf32, #tpu.memory_space<hbm>>
      %dma_start3A_99 = tpu.memref_squeeze %dma_start3A_98 : memref<1x256x64xf32, #tpu.memory_space<hbm>> -> memref<256x64xf32, #tpu.memory_space<hbm>>
      tpu.enqueue_dma source(%dma_start3A_99 : memref<256x64xf32, #tpu.memory_space<hbm>>) target(%arg7 : memref<256x64xf32, #tpu.memory_space<vmem>>) target_semaphore(%run_scoped3A : memref<!tpu.dma_semaphore, #tpu.memory_space<semaphore_mem>>)
      %dma_wait3A = arith.constant 0 : i32
      %dma_wait3A_100 = tpu.memref_slice %arg2[%select_n3A, %mul3A_32, %dma_wait3A] : memref<16x512x64xf32, #tpu.memory_space<hbm>> -> memref<1x256x64xf32, #tpu.memory_space<hbm>>
      %dma_wait3A_101 = tpu.memref_squeeze %dma_wait3A_100 : memref<1x256x64xf32, #tpu.memory_space<hbm>> -> memref<256x64xf32, #tpu.memory_space<hbm>>
      %dma_wait3A_102 = arith.constant 0 : i32
      %dma_wait3A_103 = tpu.memref_slice %arg2[%select_n3A, %mul3A_32, %dma_wait3A_102] : memref<16x512x64xf32, #tpu.memory_space<hbm>> -> memref<1x256x64xf32, #tpu.memory_space<hbm>>
      %dma_wait3A_104 = tpu.memref_squeeze %dma_wait3A_103 : memref<1x256x64xf32, #tpu.memory_space<hbm>> -> memref<256x64xf32, #tpu.memory_space<hbm>>
      tpu.wait_dma2 semaphore(%run_scoped3A : memref<!tpu.dma_semaphore, #tpu.memory_space<semaphore_mem>>) src(%dma_wait3A_104 : memref<256x64xf32, #tpu.memory_space<hbm>>) dst(%arg7 : memref<256x64xf32, #tpu.memory_space<vmem>>)
      tpu.yield
    }) : () -> ()
    "tpu.region"() ({
      %run_scoped3A = tpu.sem_alloc : memref<!tpu.dma_semaphore, #tpu.memory_space<semaphore_mem>>
      %dma_start3A = arith.constant 0 : i32
      %dma_start3A_95 = tpu.memref_slice %arg3[%select_n3A, %mul3A_32, %dma_start3A] : memref<16x512x64xi32, #tpu.memory_space<hbm>> -> memref<1x256x64xi32, #tpu.memory_space<hbm>>
      %dma_start3A_96 = tpu.memref_squeeze %dma_start3A_95 : memref<1x256x64xi32, #tpu.memory_space<hbm>> -> memref<256x64xi32, #tpu.memory_space<hbm>>
      %dma_start3A_97 = arith.constant 0 : i32
      %dma_start3A_98 = tpu.memref_slice %arg3[%select_n3A, %mul3A_32, %dma_start3A_97] : memref<16x512x64xi32, #tpu.memory_space<hbm>> -> memref<1x256x64xi32, #tpu.memory_space<hbm>>
      %dma_start3A_99 = tpu.memref_squeeze %dma_start3A_98 : memref<1x256x64xi32, #tpu.memory_space<hbm>> -> memref<256x64xi32, #tpu.memory_space<hbm>>
      tpu.enqueue_dma source(%dma_start3A_99 : memref<256x64xi32, #tpu.memory_space<hbm>>) target(%arg8 : memref<256x64xi32, #tpu.memory_space<vmem>>) target_semaphore(%run_scoped3A : memref<!tpu.dma_semaphore, #tpu.memory_space<semaphore_mem>>)
      %dma_wait3A = arith.constant 0 : i32
      %dma_wait3A_100 = tpu.memref_slice %arg3[%select_n3A, %mul3A_32, %dma_wait3A] : memref<16x512x64xi32, #tpu.memory_space<hbm>> -> memref<1x256x64xi32, #tpu.memory_space<hbm>>
      %dma_wait3A_101 = tpu.memref_squeeze %dma_wait3A_100 : memref<1x256x64xi32, #tpu.memory_space<hbm>> -> memref<256x64xi32, #tpu.memory_space<hbm>>
      %dma_wait3A_102 = arith.constant 0 : i32
      %dma_wait3A_103 = tpu.memref_slice %arg3[%select_n3A, %mul3A_32, %dma_wait3A_102] : memref<16x512x64xi32, #tpu.memory_space<hbm>> -> memref<1x256x64xi32, #tpu.memory_space<hbm>>
      %dma_wait3A_104 = tpu.memref_squeeze %dma_wait3A_103 : memref<1x256x64xi32, #tpu.memory_space<hbm>> -> memref<256x64xi32, #tpu.memory_space<hbm>>
      tpu.wait_dma2 semaphore(%run_scoped3A : memref<!tpu.dma_semaphore, #tpu.memory_space<semaphore_mem>>) src(%dma_wait3A_104 : memref<256x64xi32, #tpu.memory_space<hbm>>) dst(%arg8 : memref<256x64xi32, #tpu.memory_space<vmem>>)
      tpu.yield
    }) : () -> ()
    "tpu.region"() ({
      %run_scoped3A = tpu.sem_alloc : memref<!tpu.dma_semaphore, #tpu.memory_space<semaphore_mem>>
      %dma_start3A = tpu.memref_slice %arg4[%select_n3A, %mul3A_32] : memref<16x512xi32, #tpu.memory_space<hbm>> -> memref<1x256xi32, #tpu.memory_space<hbm>>
      %dma_start3A_95 = tpu.memref_squeeze %dma_start3A : memref<1x256xi32, #tpu.memory_space<hbm>> -> memref<256xi32, #tpu.memory_space<hbm>>
      %dma_start3A_96 = tpu.memref_slice %arg4[%select_n3A, %mul3A_32] : memref<16x512xi32, #tpu.memory_space<hbm>> -> memref<1x256xi32, #tpu.memory_space<hbm>>
      %dma_start3A_97 = tpu.memref_squeeze %dma_start3A_96 : memref<1x256xi32, #tpu.memory_space<hbm>> -> memref<256xi32, #tpu.memory_space<hbm>>
      tpu.enqueue_dma source(%dma_start3A_97 : memref<256xi32, #tpu.memory_space<hbm>>) target(%arg9 : memref<256xi32, #tpu.memory_space<vmem>>) target_semaphore(%run_scoped3A : memref<!tpu.dma_semaphore, #tpu.memory_space<semaphore_mem>>)
      %dma_wait3A = tpu.memref_slice %arg4[%select_n3A, %mul3A_32] : memref<16x512xi32, #tpu.memory_space<hbm>> -> memref<1x256xi32, #tpu.memory_space<hbm>>
      %dma_wait3A_98 = tpu.memref_squeeze %dma_wait3A : memref<1x256xi32, #tpu.memory_space<hbm>> -> memref<256xi32, #tpu.memory_space<hbm>>
      %dma_wait3A_99 = tpu.memref_slice %arg4[%select_n3A, %mul3A_32] : memref<16x512xi32, #tpu.memory_space<hbm>> -> memref<1x256xi32, #tpu.memory_space<hbm>>
      %dma_wait3A_100 = tpu.memref_squeeze %dma_wait3A_99 : memref<1x256xi32, #tpu.memory_space<hbm>> -> memref<256xi32, #tpu.memory_space<hbm>>
      tpu.wait_dma2 semaphore(%run_scoped3A : memref<!tpu.dma_semaphore, #tpu.memory_space<semaphore_mem>>) src(%dma_wait3A_100 : memref<256xi32, #tpu.memory_space<hbm>>) dst(%arg9 : memref<256xi32, #tpu.memory_space<vmem>>)
      tpu.yield
    }) : () -> ()
    "tpu.region"() ({
      %run_scoped3A = tpu.sem_alloc : memref<!tpu.dma_semaphore, #tpu.memory_space<semaphore_mem>>
      tpu.enqueue_dma source(%arg5 : memref<16xf32, #tpu.memory_space<hbm>>) target(%arg10 : memref<16xf32, #tpu.memory_space<vmem>>) target_semaphore(%run_scoped3A : memref<!tpu.dma_semaphore, #tpu.memory_space<semaphore_mem>>)
      tpu.wait_dma2 semaphore(%run_scoped3A : memref<!tpu.dma_semaphore, #tpu.memory_space<semaphore_mem>>) src(%arg5 : memref<16xf32, #tpu.memory_space<hbm>>) dst(%arg10 : memref<16xf32, #tpu.memory_space<vmem>>)
      tpu.yield
    }) : () -> ()
    %get3A = arith.constant 0 : index
    %get3A_33 = tpu.vector_load %arg10[%get3A] {strides = array<i32>} : memref<16xf32, #tpu.memory_space<vmem>>, vector<16xf32>,
    %slice3A = vector.extract_strided_slice %get3A_33 {offsets = [0], sizes = [1], strides = [1]} : vector<16xf32> to vector<1xf32>
    %squeeze3A = vector.extract %slice3A[0] : f32 from vector<1xf32>
    %broadcast_in_dim3A = vector.broadcast %squeeze3A : f32 to vector<16xf32>
    %slice3A_34 = vector.extract_strided_slice %get3A_33 {offsets = [1], sizes = [1], strides = [1]} : vector<16xf32> to vector<1xf32>
    %squeeze3A_35 = vector.extract %slice3A_34[0] : f32 from vector<1xf32>
    %broadcast_in_dim3A_36 = vector.broadcast %squeeze3A_35 : f32 to vector<16xf32>
    %slice3A_37 = vector.extract_strided_slice %get3A_33 {offsets = [2], sizes = [1], strides = [1]} : vector<16xf32> to vector<1xf32>
    %squeeze3A_38 = vector.extract %slice3A_37[0] : f32 from vector<1xf32>
    %broadcast_in_dim3A_39 = vector.broadcast %squeeze3A_38 : f32 to vector<16xf32>
    %slice3A_40 = vector.extract_strided_slice %get3A_33 {offsets = [3], sizes = [1], strides = [1]} : vector<16xf32> to vector<1xf32>
    %squeeze3A_41 = vector.extract %slice3A_40[0] : f32 from vector<1xf32>
    %broadcast_in_dim3A_42 = vector.broadcast %squeeze3A_41 : f32 to vector<16xf32>
    %slice3A_43 = vector.extract_strided_slice %get3A_33 {offsets = [4], sizes = [1], strides = [1]} : vector<16xf32> to vector<1xf32>
    %squeeze3A_44 = vector.extract %slice3A_43[0] : f32 from vector<1xf32>
    %broadcast_in_dim3A_45 = vector.broadcast %squeeze3A_44 : f32 to vector<16xf32>
    %slice3A_46 = vector.extract_strided_slice %get3A_33 {offsets = [5], sizes = [1], strides = [1]} : vector<16xf32> to vector<1xf32>
    %squeeze3A_47 = vector.extract %slice3A_46[0] : f32 from vector<1xf32>
    %broadcast_in_dim3A_48 = vector.broadcast %squeeze3A_47 : f32 to vector<16xf32>
    %slice3A_49 = vector.extract_strided_slice %get3A_33 {offsets = [6], sizes = [1], strides = [1]} : vector<16xf32> to vector<1xf32>
    %squeeze3A_50 = vector.extract %slice3A_49[0] : f32 from vector<1xf32>
    %broadcast_in_dim3A_51 = vector.broadcast %squeeze3A_50 : f32 to vector<16xf32>
    %slice3A_52 = vector.extract_strided_slice %get3A_33 {offsets = [7], sizes = [1], strides = [1]} : vector<16xf32> to vector<1xf32>
    %squeeze3A_53 = vector.extract %slice3A_52[0] : f32 from vector<1xf32>
    %broadcast_in_dim3A_54 = vector.broadcast %squeeze3A_53 : f32 to vector<16xf32>
    %slice3A_55 = vector.extract_strided_slice %get3A_33 {offsets = [8], sizes = [1], strides = [1]} : vector<16xf32> to vector<1xf32>
    %squeeze3A_56 = vector.extract %slice3A_55[0] : f32 from vector<1xf32>
    %broadcast_in_dim3A_57 = vector.broadcast %squeeze3A_56 : f32 to vector<16xf32>
    %slice3A_58 = vector.extract_strided_slice %get3A_33 {offsets = [9], sizes = [1], strides = [1]} : vector<16xf32> to vector<1xf32>
    %squeeze3A_59 = vector.extract %slice3A_58[0] : f32 from vector<1xf32>
    %broadcast_in_dim3A_60 = vector.broadcast %squeeze3A_59 : f32 to vector<16xf32>
    %slice3A_61 = vector.extract_strided_slice %get3A_33 {offsets = [10], sizes = [1], strides = [1]} : vector<16xf32> to vector<1xf32>
    %squeeze3A_62 = vector.extract %slice3A_61[0] : f32 from vector<1xf32>
    %broadcast_in_dim3A_63 = vector.broadcast %squeeze3A_62 : f32 to vector<16xf32>
    %slice3A_64 = vector.extract_strided_slice %get3A_33 {offsets = [11], sizes = [1], strides = [1]} : vector<16xf32> to vector<1xf32>
    %squeeze3A_65 = vector.extract %slice3A_64[0] : f32 from vector<1xf32>
    %broadcast_in_dim3A_66 = vector.broadcast %squeeze3A_65 : f32 to vector<16xf32>
    %slice3A_67 = vector.extract_strided_slice %get3A_33 {offsets = [12], sizes = [1], strides = [1]} : vector<16xf32> to vector<1xf32>
    %squeeze3A_68 = vector.extract %slice3A_67[0] : f32 from vector<1xf32>
    %broadcast_in_dim3A_69 = vector.broadcast %squeeze3A_68 : f32 to vector<16xf32>
    %slice3A_70 = vector.extract_strided_slice %get3A_33 {offsets = [13], sizes = [1], strides = [1]} : vector<16xf32> to vector<1xf32>
    %squeeze3A_71 = vector.extract %slice3A_70[0] : f32 from vector<1xf32>
    %broadcast_in_dim3A_72 = vector.broadcast %squeeze3A_71 : f32 to vector<16xf32>
    %iota3A = tpu.iota {dimensions = array<i32: 0>} : vector<16xi32>
    %broadcast_in_dim3A_73 = arith.constant 0.000000e+00 : f32
    %broadcast_in_dim3A_74 = vector.broadcast %broadcast_in_dim3A_73 : f32 to vector<16xf32>
    %broadcast_in_dim3A_75 = arith.constant 1 : i32
    %broadcast_in_dim3A_76 = vector.broadcast %broadcast_in_dim3A_75 : i32 to vector<16xi32>
    %broadcast_in_dim3A_77 = arith.constant 3 : i32
    %broadcast_in_dim3A_78 = vector.broadcast %broadcast_in_dim3A_77 : i32 to vector<16xi32>
    %broadcast_in_dim3A_79 = arith.constant 6 : i32
    %broadcast_in_dim3A_80 = vector.broadcast %broadcast_in_dim3A_79 : i32 to vector<16xi32>
    %broadcast_in_dim3A_81 = arith.constant 9 : i32
    %broadcast_in_dim3A_82 = vector.broadcast %broadcast_in_dim3A_81 : i32 to vector<16xi32>
    %scan3A = arith.constant 0 : i32
    %scan3A_83 = arith.constant 16 : i32
    %scan3A_84 = arith.addi %scan3A, %scan3A_83 : i32
    %scan3A_85 = arith.constant 1 : i32
    %scan3A_86:2 = scf.for %scan3A_95 = %scan3A to %scan3A_84 step %scan3A_85 iter_args(%scan3A_96 = %broadcast_in_dim3A_74, %scan3A_97 = %broadcast_in_dim3A_74) -> (vector<16xf32>, vector<16xf32>)  : i32 {
      %scan3A_98 = arith.constant 0 : i32
      %scan3A_99 = arith.constant 8 : i32
      %scan3A_100 = arith.addi %scan3A_98, %scan3A_99 : i32
      %scan3A_101 = arith.constant 1 : i32
      %scan3A_102:2 = scf.for %scan3A_146 = %scan3A_98 to %scan3A_100 step %scan3A_101 iter_args(%scan3A_147 = %scan3A_96, %scan3A_148 = %broadcast_in_dim3A_74) -> (vector<16xf32>, vector<16xf32>)  : i32 {
        %mul3A_149 = arith.constant 2 : i32
        %mul3A_150 = arith.muli %scan3A_146, %mul3A_149 : i32
        %mul3A_151 = arith.constant 16 : i32
        %mul3A_152 = arith.muli %scan3A_95, %mul3A_151 : i32
        %add3A_153 = arith.addi %mul3A_152, %mul3A_150 : i32
        %get3A_154 = arith.index_cast %add3A_153 : i32 to index
        %get3A_155 = arith.constant 0 : index
        %get3A_156 = tpu.vector_load %arg7[%get3A_154, %get3A_155] {strides = array<i32>} : memref<256x64xf32, #tpu.memory_space<vmem>>, vector<16xf32>,
        %get3A_157 = arith.index_cast %add3A_153 : i32 to index
        %get3A_158 = arith.constant 0 : index
        %get3A_159 = tpu.vector_load %arg8[%get3A_157, %get3A_158] {strides = array<i32>} : memref<256x64xi32, #tpu.memory_space<vmem>>, vector<16xi32>,
        %gather3A = tpu.vector_load_idx %arg10[%get3A_159] : memref<16xf32, #tpu.memory_space<vmem>>[vector<16xi32>], vector<16xf32>,
        %add3A_160 = arith.addi %get3A_159, %broadcast_in_dim3A_78 : vector<16xi32>
        %gather3A_161 = tpu.vector_load_idx %arg10[%add3A_160] : memref<16xf32, #tpu.memory_space<vmem>>[vector<16xi32>], vector<16xf32>,
        %add3A_162 = arith.addi %get3A_159, %broadcast_in_dim3A_80 : vector<16xi32>
        %gather3A_163 = tpu.vector_load_idx %arg10[%add3A_162] : memref<16xf32, #tpu.memory_space<vmem>>[vector<16xi32>], vector<16xf32>,
        %add3A_164 = arith.addi %get3A_159, %broadcast_in_dim3A_82 : vector<16xi32>
        %gather3A_165 = tpu.vector_load_idx %arg10[%add3A_164] : memref<16xf32, #tpu.memory_space<vmem>>[vector<16xi32>], vector<16xf32>,
        %mul3A_166 = arith.mulf %gather3A_161, %get3A_156 : vector<16xf32>
        %sub3A_167 = arith.subf %gather3A, %mul3A_166 : vector<16xf32>
        %exp3A = math.exp %sub3A_167 : vector<16xf32>
        %add3A_168 = arith.addf %broadcast_in_dim3A_74, %exp3A : vector<16xf32>
        %mul3A_169 = arith.mulf %gather3A_165, %get3A_156 : vector<16xf32>
        %sub3A_170 = arith.subf %gather3A_163, %mul3A_169 : vector<16xf32>
        %exp3A_171 = math.exp %sub3A_170 : vector<16xf32>
        %add3A_172 = arith.addf %broadcast_in_dim3A_74, %exp3A_171 : vector<16xf32>
        %mul3A_173 = arith.constant 16 : i32
        %mul3A_174 = arith.muli %scan3A_95, %mul3A_173 : i32
        %add3A_175 = arith.addi %mul3A_174, %mul3A_150 : i32
        %add3A_176 = arith.constant 1 : i32
        %add3A_177 = arith.addi %add3A_175, %add3A_176 : i32
        %get3A_178 = arith.index_cast %add3A_177 : i32 to index
        %get3A_179 = arith.constant 0 : index
        %get3A_180 = tpu.vector_load %arg7[%get3A_178, %get3A_179] {strides = array<i32>} : memref<256x64xf32, #tpu.memory_space<vmem>>, vector<16xf32>,
        %get3A_181 = arith.index_cast %add3A_177 : i32 to index
        %get3A_182 = arith.constant 0 : index
        %get3A_183 = tpu.vector_load %arg8[%get3A_181, %get3A_182] {strides = array<i32>} : memref<256x64xi32, #tpu.memory_space<vmem>>, vector<16xi32>,
        %gather3A_184 = tpu.vector_load_idx %arg10[%get3A_183] : memref<16xf32, #tpu.memory_space<vmem>>[vector<16xi32>], vector<16xf32>,
        %add3A_185 = arith.addi %get3A_183, %broadcast_in_dim3A_78 : vector<16xi32>
        %gather3A_186 = tpu.vector_load_idx %arg10[%add3A_185] : memref<16xf32, #tpu.memory_space<vmem>>[vector<16xi32>], vector<16xf32>,
        %add3A_187 = arith.addi %get3A_183, %broadcast_in_dim3A_80 : vector<16xi32>
        %gather3A_188 = tpu.vector_load_idx %arg10[%add3A_187] : memref<16xf32, #tpu.memory_space<vmem>>[vector<16xi32>], vector<16xf32>,
        %add3A_189 = arith.addi %get3A_183, %broadcast_in_dim3A_82 : vector<16xi32>
        %gather3A_190 = tpu.vector_load_idx %arg10[%add3A_189] : memref<16xf32, #tpu.memory_space<vmem>>[vector<16xi32>], vector<16xf32>,
        %mul3A_191 = arith.mulf %gather3A_186, %get3A_180 : vector<16xf32>
        %sub3A_192 = arith.subf %gather3A_184, %mul3A_191 : vector<16xf32>
        %exp3A_193 = math.exp %sub3A_192 : vector<16xf32>
        %add3A_194 = arith.addf %broadcast_in_dim3A_74, %exp3A_193 : vector<16xf32>
        %mul3A_195 = arith.mulf %gather3A_190, %get3A_180 : vector<16xf32>
        %sub3A_196 = arith.subf %gather3A_188, %mul3A_195 : vector<16xf32>
        %exp3A_197 = math.exp %sub3A_196 : vector<16xf32>
        %add3A_198 = arith.addf %broadcast_in_dim3A_74, %exp3A_197 : vector<16xf32>
        %mul3A_199 = arith.constant 16 : i32
        %mul3A_200 = arith.muli %scan3A_95, %mul3A_199 : i32
        %add3A_201 = arith.addi %mul3A_200, %mul3A_150 : i32
        %get3A_202 = arith.index_cast %add3A_201 : i32 to index
        %get3A_203 = arith.constant 16 : index
        %get3A_204 = tpu.vector_load %arg7[%get3A_202, %get3A_203] {strides = array<i32>} : memref<256x64xf32, #tpu.memory_space<vmem>>, vector<16xf32>,
        %get3A_205 = arith.index_cast %add3A_201 : i32 to index
        %get3A_206 = arith.constant 16 : index
        %get3A_207 = tpu.vector_load %arg8[%get3A_205, %get3A_206] {strides = array<i32>} : memref<256x64xi32, #tpu.memory_space<vmem>>, vector<16xi32>,
        %gather3A_208 = tpu.vector_load_idx %arg10[%get3A_207] : memref<16xf32, #tpu.memory_space<vmem>>[vector<16xi32>], vector<16xf32>,
        %add3A_209 = arith.addi %get3A_207, %broadcast_in_dim3A_78 : vector<16xi32>
        %gather3A_210 = tpu.vector_load_idx %arg10[%add3A_209] : memref<16xf32, #tpu.memory_space<vmem>>[vector<16xi32>], vector<16xf32>,
        %add3A_211 = arith.addi %get3A_207, %broadcast_in_dim3A_80 : vector<16xi32>
        %gather3A_212 = tpu.vector_load_idx %arg10[%add3A_211] : memref<16xf32, #tpu.memory_space<vmem>>[vector<16xi32>], vector<16xf32>,
        %add3A_213 = arith.addi %get3A_207, %broadcast_in_dim3A_82 : vector<16xi32>
        %gather3A_214 = tpu.vector_load_idx %arg10[%add3A_213] : memref<16xf32, #tpu.memory_space<vmem>>[vector<16xi32>], vector<16xf32>,
        %mul3A_215 = arith.mulf %gather3A_210, %get3A_204 : vector<16xf32>
        %sub3A_216 = arith.subf %gather3A_208, %mul3A_215 : vector<16xf32>
        %exp3A_217 = math.exp %sub3A_216 : vector<16xf32>
        %add3A_218 = arith.addf %add3A_168, %exp3A_217 : vector<16xf32>
        %mul3A_219 = arith.mulf %gather3A_214, %get3A_204 : vector<16xf32>
        %sub3A_220 = arith.subf %gather3A_212, %mul3A_219 : vector<16xf32>
        %exp3A_221 = math.exp %sub3A_220 : vector<16xf32>
        %add3A_222 = arith.addf %add3A_172, %exp3A_221 : vector<16xf32>
        %mul3A_223 = arith.constant 16 : i32
        %mul3A_224 = arith.muli %scan3A_95, %mul3A_223 : i32
        %add3A_225 = arith.addi %mul3A_224, %mul3A_150 : i32
        %add3A_226 = arith.constant 1 : i32
        %add3A_227 = arith.addi %add3A_225, %add3A_226 : i32
        %get3A_228 = arith.index_cast %add3A_227 : i32 to index
        %get3A_229 = arith.constant 16 : index
        %get3A_230 = tpu.vector_load %arg7[%get3A_228, %get3A_229] {strides = array<i32>} : memref<256x64xf32, #tpu.memory_space<vmem>>, vector<16xf32>,
        %get3A_231 = arith.index_cast %add3A_227 : i32 to index
        %get3A_232 = arith.constant 16 : index
        %get3A_233 = tpu.vector_load %arg8[%get3A_231, %get3A_232] {strides = array<i32>} : memref<256x64xi32, #tpu.memory_space<vmem>>, vector<16xi32>,
        %gather3A_234 = tpu.vector_load_idx %arg10[%get3A_233] : memref<16xf32, #tpu.memory_space<vmem>>[vector<16xi32>], vector<16xf32>,
        %add3A_235 = arith.addi %get3A_233, %broadcast_in_dim3A_78 : vector<16xi32>
        %gather3A_236 = tpu.vector_load_idx %arg10[%add3A_235] : memref<16xf32, #tpu.memory_space<vmem>>[vector<16xi32>], vector<16xf32>,
        %add3A_237 = arith.addi %get3A_233, %broadcast_in_dim3A_80 : vector<16xi32>
        %gather3A_238 = tpu.vector_load_idx %arg10[%add3A_237] : memref<16xf32, #tpu.memory_space<vmem>>[vector<16xi32>], vector<16xf32>,
        %add3A_239 = arith.addi %get3A_233, %broadcast_in_dim3A_82 : vector<16xi32>
        %gather3A_240 = tpu.vector_load_idx %arg10[%add3A_239] : memref<16xf32, #tpu.memory_space<vmem>>[vector<16xi32>], vector<16xf32>,
        %mul3A_241 = arith.mulf %gather3A_236, %get3A_230 : vector<16xf32>
        %sub3A_242 = arith.subf %gather3A_234, %mul3A_241 : vector<16xf32>
        %exp3A_243 = math.exp %sub3A_242 : vector<16xf32>
        %add3A_244 = arith.addf %add3A_194, %exp3A_243 : vector<16xf32>
        %mul3A_245 = arith.mulf %gather3A_240, %get3A_230 : vector<16xf32>
        %sub3A_246 = arith.subf %gather3A_238, %mul3A_245 : vector<16xf32>
        %exp3A_247 = math.exp %sub3A_246 : vector<16xf32>
        %add3A_248 = arith.addf %add3A_198, %exp3A_247 : vector<16xf32>
        %mul3A_249 = arith.constant 16 : i32
        %mul3A_250 = arith.muli %scan3A_95, %mul3A_249 : i32
        %add3A_251 = arith.addi %mul3A_250, %mul3A_150 : i32
        %get3A_252 = arith.index_cast %add3A_251 : i32 to index
        %get3A_253 = arith.constant 32 : index
        %get3A_254 = tpu.vector_load %arg7[%get3A_252, %get3A_253] {strides = array<i32>} : memref<256x64xf32, #tpu.memory_space<vmem>>, vector<16xf32>,
        %get3A_255 = arith.index_cast %add3A_251 : i32 to index
        %get3A_256 = arith.constant 32 : index
        %get3A_257 = tpu.vector_load %arg8[%get3A_255, %get3A_256] {strides = array<i32>} : memref<256x64xi32, #tpu.memory_space<vmem>>, vector<16xi32>,
        %gather3A_258 = tpu.vector_load_idx %arg10[%get3A_257] : memref<16xf32, #tpu.memory_space<vmem>>[vector<16xi32>], vector<16xf32>,
        %add3A_259 = arith.addi %get3A_257, %broadcast_in_dim3A_78 : vector<16xi32>
        %gather3A_260 = tpu.vector_load_idx %arg10[%add3A_259] : memref<16xf32, #tpu.memory_space<vmem>>[vector<16xi32>], vector<16xf32>,
        %add3A_261 = arith.addi %get3A_257, %broadcast_in_dim3A_80 : vector<16xi32>
        %gather3A_262 = tpu.vector_load_idx %arg10[%add3A_261] : memref<16xf32, #tpu.memory_space<vmem>>[vector<16xi32>], vector<16xf32>,
        %add3A_263 = arith.addi %get3A_257, %broadcast_in_dim3A_82 : vector<16xi32>
        %gather3A_264 = tpu.vector_load_idx %arg10[%add3A_263] : memref<16xf32, #tpu.memory_space<vmem>>[vector<16xi32>], vector<16xf32>,
        %mul3A_265 = arith.mulf %gather3A_260, %get3A_254 : vector<16xf32>
        %sub3A_266 = arith.subf %gather3A_258, %mul3A_265 : vector<16xf32>
        %exp3A_267 = math.exp %sub3A_266 : vector<16xf32>
        %add3A_268 = arith.addf %add3A_218, %exp3A_267 : vector<16xf32>
        %mul3A_269 = arith.mulf %gather3A_264, %get3A_254 : vector<16xf32>
        %sub3A_270 = arith.subf %gather3A_262, %mul3A_269 : vector<16xf32>
        %exp3A_271 = math.exp %sub3A_270 : vector<16xf32>
        %add3A_272 = arith.addf %add3A_222, %exp3A_271 : vector<16xf32>
        %mul3A_273 = arith.constant 16 : i32
        %mul3A_274 = arith.muli %scan3A_95, %mul3A_273 : i32
        %add3A_275 = arith.addi %mul3A_274, %mul3A_150 : i32
        %add3A_276 = arith.constant 1 : i32
        %add3A_277 = arith.addi %add3A_275, %add3A_276 : i32
        %get3A_278 = arith.index_cast %add3A_277 : i32 to index
        %get3A_279 = arith.constant 32 : index
        %get3A_280 = tpu.vector_load %arg7[%get3A_278, %get3A_279] {strides = array<i32>} : memref<256x64xf32, #tpu.memory_space<vmem>>, vector<16xf32>,
        %get3A_281 = arith.index_cast %add3A_277 : i32 to index
        %get3A_282 = arith.constant 32 : index
        %get3A_283 = tpu.vector_load %arg8[%get3A_281, %get3A_282] {strides = array<i32>} : memref<256x64xi32, #tpu.memory_space<vmem>>, vector<16xi32>,
        %gather3A_284 = tpu.vector_load_idx %arg10[%get3A_283] : memref<16xf32, #tpu.memory_space<vmem>>[vector<16xi32>], vector<16xf32>,
        %add3A_285 = arith.addi %get3A_283, %broadcast_in_dim3A_78 : vector<16xi32>
        %gather3A_286 = tpu.vector_load_idx %arg10[%add3A_285] : memref<16xf32, #tpu.memory_space<vmem>>[vector<16xi32>], vector<16xf32>,
        %add3A_287 = arith.addi %get3A_283, %broadcast_in_dim3A_80 : vector<16xi32>
        %gather3A_288 = tpu.vector_load_idx %arg10[%add3A_287] : memref<16xf32, #tpu.memory_space<vmem>>[vector<16xi32>], vector<16xf32>,
        %add3A_289 = arith.addi %get3A_283, %broadcast_in_dim3A_82 : vector<16xi32>
        %gather3A_290 = tpu.vector_load_idx %arg10[%add3A_289] : memref<16xf32, #tpu.memory_space<vmem>>[vector<16xi32>], vector<16xf32>,
        %mul3A_291 = arith.mulf %gather3A_286, %get3A_280 : vector<16xf32>
        %sub3A_292 = arith.subf %gather3A_284, %mul3A_291 : vector<16xf32>
        %exp3A_293 = math.exp %sub3A_292 : vector<16xf32>
        %add3A_294 = arith.addf %add3A_244, %exp3A_293 : vector<16xf32>
        %mul3A_295 = arith.mulf %gather3A_290, %get3A_280 : vector<16xf32>
        %sub3A_296 = arith.subf %gather3A_288, %mul3A_295 : vector<16xf32>
        %exp3A_297 = math.exp %sub3A_296 : vector<16xf32>
        %add3A_298 = arith.addf %add3A_248, %exp3A_297 : vector<16xf32>
        %mul3A_299 = arith.constant 16 : i32
        %mul3A_300 = arith.muli %scan3A_95, %mul3A_299 : i32
        %add3A_301 = arith.addi %mul3A_300, %mul3A_150 : i32
        %get3A_302 = arith.index_cast %add3A_301 : i32 to index
        %get3A_303 = arith.constant 48 : index
        %get3A_304 = tpu.vector_load %arg7[%get3A_302, %get3A_303] {strides = array<i32>} : memref<256x64xf32, #tpu.memory_space<vmem>>, vector<16xf32>,
        %get3A_305 = arith.index_cast %add3A_301 : i32 to index
        %get3A_306 = arith.constant 48 : index
        %get3A_307 = tpu.vector_load %arg8[%get3A_305, %get3A_306] {strides = array<i32>} : memref<256x64xi32, #tpu.memory_space<vmem>>, vector<16xi32>,
        %gather3A_308 = tpu.vector_load_idx %arg10[%get3A_307] : memref<16xf32, #tpu.memory_space<vmem>>[vector<16xi32>], vector<16xf32>,
        %add3A_309 = arith.addi %get3A_307, %broadcast_in_dim3A_78 : vector<16xi32>
        %gather3A_310 = tpu.vector_load_idx %arg10[%add3A_309] : memref<16xf32, #tpu.memory_space<vmem>>[vector<16xi32>], vector<16xf32>,
        %add3A_311 = arith.addi %get3A_307, %broadcast_in_dim3A_80 : vector<16xi32>
        %gather3A_312 = tpu.vector_load_idx %arg10[%add3A_311] : memref<16xf32, #tpu.memory_space<vmem>>[vector<16xi32>], vector<16xf32>,
        %add3A_313 = arith.addi %get3A_307, %broadcast_in_dim3A_82 : vector<16xi32>
        %gather3A_314 = tpu.vector_load_idx %arg10[%add3A_313] : memref<16xf32, #tpu.memory_space<vmem>>[vector<16xi32>], vector<16xf32>,
        %mul3A_315 = arith.mulf %gather3A_310, %get3A_304 : vector<16xf32>
        %sub3A_316 = arith.subf %gather3A_308, %mul3A_315 : vector<16xf32>
        %exp3A_317 = math.exp %sub3A_316 : vector<16xf32>
        %add3A_318 = arith.addf %add3A_268, %exp3A_317 : vector<16xf32>
        %mul3A_319 = arith.mulf %gather3A_314, %get3A_304 : vector<16xf32>
        %sub3A_320 = arith.subf %gather3A_312, %mul3A_319 : vector<16xf32>
        %exp3A_321 = math.exp %sub3A_320 : vector<16xf32>
        %add3A_322 = arith.addf %add3A_272, %exp3A_321 : vector<16xf32>
        %mul3A_323 = arith.constant 16 : i32
        %mul3A_324 = arith.muli %scan3A_95, %mul3A_323 : i32
        %add3A_325 = arith.addi %mul3A_324, %mul3A_150 : i32
        %add3A_326 = arith.constant 1 : i32
        %add3A_327 = arith.addi %add3A_325, %add3A_326 : i32
        %get3A_328 = arith.index_cast %add3A_327 : i32 to index
        %get3A_329 = arith.constant 48 : index
        %get3A_330 = tpu.vector_load %arg7[%get3A_328, %get3A_329] {strides = array<i32>} : memref<256x64xf32, #tpu.memory_space<vmem>>, vector<16xf32>,
        %get3A_331 = arith.index_cast %add3A_327 : i32 to index
        %get3A_332 = arith.constant 48 : index
        %get3A_333 = tpu.vector_load %arg8[%get3A_331, %get3A_332] {strides = array<i32>} : memref<256x64xi32, #tpu.memory_space<vmem>>, vector<16xi32>,
        %gather3A_334 = tpu.vector_load_idx %arg10[%get3A_333] : memref<16xf32, #tpu.memory_space<vmem>>[vector<16xi32>], vector<16xf32>,
        %add3A_335 = arith.addi %get3A_333, %broadcast_in_dim3A_78 : vector<16xi32>
        %gather3A_336 = tpu.vector_load_idx %arg10[%add3A_335] : memref<16xf32, #tpu.memory_space<vmem>>[vector<16xi32>], vector<16xf32>,
        %add3A_337 = arith.addi %get3A_333, %broadcast_in_dim3A_80 : vector<16xi32>
        %gather3A_338 = tpu.vector_load_idx %arg10[%add3A_337] : memref<16xf32, #tpu.memory_space<vmem>>[vector<16xi32>], vector<16xf32>,
        %add3A_339 = arith.addi %get3A_333, %broadcast_in_dim3A_82 : vector<16xi32>
        %gather3A_340 = tpu.vector_load_idx %arg10[%add3A_339] : memref<16xf32, #tpu.memory_space<vmem>>[vector<16xi32>], vector<16xf32>,
        %mul3A_341 = arith.mulf %gather3A_336, %get3A_330 : vector<16xf32>
        %sub3A_342 = arith.subf %gather3A_334, %mul3A_341 : vector<16xf32>
        %exp3A_343 = math.exp %sub3A_342 : vector<16xf32>
        %add3A_344 = arith.addf %add3A_294, %exp3A_343 : vector<16xf32>
        %mul3A_345 = arith.mulf %gather3A_340, %get3A_330 : vector<16xf32>
        %sub3A_346 = arith.subf %gather3A_338, %mul3A_345 : vector<16xf32>
        %exp3A_347 = math.exp %sub3A_346 : vector<16xf32>
        %add3A_348 = arith.addf %add3A_298, %exp3A_347 : vector<16xf32>
        %reduce_sum3A = arith.constant true
        %reduce_sum3A_349 = vector.broadcast %reduce_sum3A : i1 to vector<16xi1>
        %reduce_sum3A_350 = tpu.scan <sum>, %add3A_322 masked %reduce_sum3A_349 : vector<16xf32>, vector<16xi1> -> vector<16xf32>
        %reduce_sum3A_351 = vector.extract %reduce_sum3A_350[15] : f32 from vector<16xf32>
        %reduce_sum3A_352 = arith.constant true
        %reduce_sum3A_353 = vector.broadcast %reduce_sum3A_352 : i1 to vector<16xi1>
        %reduce_sum3A_354 = tpu.scan <sum>, %add3A_348 masked %reduce_sum3A_353 : vector<16xf32>, vector<16xi1> -> vector<16xf32>
        %reduce_sum3A_355 = vector.extract %reduce_sum3A_354[15] : f32 from vector<16xf32>
        %eq3A_356 = vector.broadcast %mul3A_150 : i32 to vector<16xi32>
        %eq3A_357 = arith.cmpi eq, %iota3A, %eq3A_356 : vector<16xi32>
        %broadcast_in_dim3A_358 = vector.broadcast %reduce_sum3A_351 : f32 to vector<16xf32>
        %select_n3A_359 = arith.select %eq3A_357, %broadcast_in_dim3A_358, %scan3A_148 : vector<16xi1>, vector<16xf32>
        %add3A_360 = arith.constant 1 : i32
        %add3A_361 = arith.addi %mul3A_150, %add3A_360 : i32
        %eq3A_362 = vector.broadcast %add3A_361 : i32 to vector<16xi32>
        %eq3A_363 = arith.cmpi eq, %iota3A, %eq3A_362 : vector<16xi32>
        %broadcast_in_dim3A_364 = vector.broadcast %reduce_sum3A_355 : f32 to vector<16xf32>
        %select_n3A_365 = arith.select %eq3A_363, %broadcast_in_dim3A_364, %select_n3A_359 : vector<16xi1>, vector<16xf32>
        %add3A_366 = arith.addf %scan3A_147, %add3A_318 : vector<16xf32>
        %add3A_367 = arith.addf %add3A_366, %add3A_344 : vector<16xf32>
        scf.yield %add3A_367, %select_n3A_365 : vector<16xf32>, vector<16xf32>
      }
      %scan3A_103 = arith.constant 8 : i32
      %bitcast_convert_type3A = tpu.bitcast %scan3A_102#1 : vector<16xf32> -> vector<16xi32>
      %broadcast_in_dim3A_104 = arith.constant 1597463007 : i32
      %broadcast_in_dim3A_105 = vector.broadcast %broadcast_in_dim3A_104 : i32 to vector<16xi32>
      %broadcast_in_dim3A_106 = arith.constant 1 : i32
      %broadcast_in_dim3A_107 = vector.broadcast %broadcast_in_dim3A_106 : i32 to vector<16xi32>
      %shift_right_arithmetic3A = arith.shrsi %bitcast_convert_type3A, %broadcast_in_dim3A_107 : vector<16xi32>
      %sub3A_108 = arith.subi %broadcast_in_dim3A_105, %shift_right_arithmetic3A : vector<16xi32>
      %bitcast_convert_type3A_109 = tpu.bitcast %sub3A_108 : vector<16xi32> -> vector<16xf32>
      %mul3A_110 = arith.constant 5.000000e-01 : f32
      %mul3A_111 = vector.broadcast %mul3A_110 : f32 to vector<16xf32>
      %mul3A_112 = arith.mulf %mul3A_111, %scan3A_102#1 : vector<16xf32>
      %mul3A_113 = arith.mulf %mul3A_112, %bitcast_convert_type3A_109 : vector<16xf32>
      %mul3A_114 = arith.mulf %mul3A_113, %bitcast_convert_type3A_109 : vector<16xf32>
      %sub3A_115 = arith.constant 1.500000e+00 : f32
      %sub3A_116 = vector.broadcast %sub3A_115 : f32 to vector<16xf32>
      %sub3A_117 = arith.subf %sub3A_116, %mul3A_114 : vector<16xf32>
      %mul3A_118 = arith.mulf %bitcast_convert_type3A_109, %sub3A_117 : vector<16xf32>
      %mul3A_119 = arith.constant 5.000000e-01 : f32
      %mul3A_120 = vector.broadcast %mul3A_119 : f32 to vector<16xf32>
      %mul3A_121 = arith.mulf %mul3A_120, %scan3A_102#1 : vector<16xf32>
      %mul3A_122 = arith.mulf %mul3A_121, %mul3A_118 : vector<16xf32>
      %mul3A_123 = arith.mulf %mul3A_122, %mul3A_118 : vector<16xf32>
      %sub3A_124 = arith.constant 1.500000e+00 : f32
      %sub3A_125 = vector.broadcast %sub3A_124 : f32 to vector<16xf32>
      %sub3A_126 = arith.subf %sub3A_125, %mul3A_123 : vector<16xf32>
      %mul3A_127 = arith.mulf %mul3A_118, %sub3A_126 : vector<16xf32>
      %mul3A_128 = arith.constant 5.000000e-01 : f32
      %mul3A_129 = vector.broadcast %mul3A_128 : f32 to vector<16xf32>
      %mul3A_130 = arith.mulf %mul3A_129, %scan3A_102#1 : vector<16xf32>
      %mul3A_131 = arith.mulf %mul3A_130, %mul3A_127 : vector<16xf32>
      %mul3A_132 = arith.mulf %mul3A_131, %mul3A_127 : vector<16xf32>
      %sub3A_133 = arith.constant 1.500000e+00 : f32
      %sub3A_134 = vector.broadcast %sub3A_133 : f32 to vector<16xf32>
      %sub3A_135 = arith.subf %sub3A_134, %mul3A_132 : vector<16xf32>
      %mul3A_136 = arith.mulf %mul3A_127, %sub3A_135 : vector<16xf32>
      %mul3A_137 = arith.mulf %scan3A_102#1, %mul3A_136 : vector<16xf32>
      %mul3A_138 = arith.constant 16 : i32
      %mul3A_139 = arith.muli %scan3A_95, %mul3A_138 : i32
      %multiple_of3A = tpu.assume_multiple %mul3A_139, 16 : i32
      %get3A_140 = arith.index_cast %multiple_of3A : i32 to index
      %get3A_141 = tpu.vector_load %arg9[%get3A_140] {strides = array<i32>} : memref<256xi32, #tpu.memory_space<vmem>>, vector<16xi32>,
      %eq3A_142 = arith.cmpi eq, %get3A_141, %broadcast_in_dim3A_76 : vector<16xi32>
      %select_n3A_143 = arith.select %eq3A_142, %broadcast_in_dim3A_72, %broadcast_in_dim3A_69 : vector<16xi1>, vector<16xf32>
      %mul3A_144 = arith.mulf %select_n3A_143, %mul3A_137 : vector<16xf32>
      %sub3A_145 = arith.subf %scan3A_97, %mul3A_144 : vector<16xf32>
      scf.yield %scan3A_102#0, %sub3A_145 : vector<16xf32>, vector<16xf32>
    }
    %scan3A_87 = arith.constant 16 : i32
    %add3A_88 = arith.addf %scan3A_86#0, %scan3A_86#1 : vector<16xf32>
    %mul3A_89 = arith.constant 0.001953125 : f32
    %mul3A_90 = vector.broadcast %mul3A_89 : f32 to vector<16xf32>
    %mul3A_91 = arith.mulf %add3A_88, %mul3A_90 : vector<16xf32>
    %swap3A = arith.constant 0 : index
    %swap3A_92 = tpu.vector_load %arg11[%swap3A] {strides = array<i32>} : memref<16xf32, #tpu.memory_space<vmem>>, vector<16xf32>,
    tpu.vector_store %arg11[%swap3A], %mul3A_91 {strides = array<i32>} : memref<16xf32, #tpu.memory_space<vmem>>, vector<16xf32>,
    %mul3A_93 = arith.constant 16 : i32
    %mul3A_94 = arith.muli %select_n3A_30, %mul3A_93 : i32
    "tpu.region"() ({
      %run_scoped3A = tpu.sem_alloc : memref<!tpu.dma_semaphore, #tpu.memory_space<semaphore_mem>>
      %dma_start3A = tpu.memref_slice %arg6[%select_n3A, %mul3A_94] : memref<16x32xf32, #tpu.memory_space<hbm>> -> memref<1x16xf32, #tpu.memory_space<hbm>>
      %dma_start3A_95 = tpu.memref_squeeze %dma_start3A : memref<1x16xf32, #tpu.memory_space<hbm>> -> memref<16xf32, #tpu.memory_space<hbm>>
      %dma_start3A_96 = tpu.memref_slice %arg6[%select_n3A, %mul3A_94] : memref<16x32xf32, #tpu.memory_space<hbm>> -> memref<1x16xf32, #tpu.memory_space<hbm>>
      %dma_start3A_97 = tpu.memref_squeeze %dma_start3A_96 : memref<1x16xf32, #tpu.memory_space<hbm>> -> memref<16xf32, #tpu.memory_space<hbm>>
      tpu.enqueue_dma source(%arg11 : memref<16xf32, #tpu.memory_space<vmem>>) target(%dma_start3A_97 : memref<16xf32, #tpu.memory_space<hbm>>) target_semaphore(%run_scoped3A : memref<!tpu.dma_semaphore, #tpu.memory_space<semaphore_mem>>)
      %dma_wait3A = tpu.memref_slice %arg6[%select_n3A, %mul3A_94] : memref<16x32xf32, #tpu.memory_space<hbm>> -> memref<1x16xf32, #tpu.memory_space<hbm>>
      %dma_wait3A_98 = tpu.memref_squeeze %dma_wait3A : memref<1x16xf32, #tpu.memory_space<hbm>> -> memref<16xf32, #tpu.memory_space<hbm>>
      %dma_wait3A_99 = tpu.memref_slice %arg6[%select_n3A, %mul3A_94] : memref<16x32xf32, #tpu.memory_space<hbm>> -> memref<1x16xf32, #tpu.memory_space<hbm>>
      %dma_wait3A_100 = tpu.memref_squeeze %dma_wait3A_99 : memref<1x16xf32, #tpu.memory_space<hbm>> -> memref<16xf32, #tpu.memory_space<hbm>>
      tpu.wait_dma2 semaphore(%run_scoped3A : memref<!tpu.dma_semaphore, #tpu.memory_space<semaphore_mem>>) src(%arg11 : memref<16xf32, #tpu.memory_space<vmem>>) dst(%dma_wait3A_100 : memref<16xf32, #tpu.memory_space<hbm>>)
      tpu.yield
    }) : () -> ()
    return
  }
}

</mosaic_0001>

<sc_bundles>
// kernel: _eam_call.3.cloned.1.call-start
scs
__scs_entry_jumppad:
0x0: {  	(pc) =	sbr.rel $0x88, $3  }
0x1: {  	(tag) =	ssettag $0x0;
	lr =	simm.s32 $0x1  }
0x2: {  	[smem:$0x3F9D] =	sst lr;
	_ =	strace $0xD0000000  }
0x3: {  	_ = 	snop  }
0x4: {  	_ = 	snop  }
0x5: {  	_ = 	snop  }
0x6: {  	_ = 	snop  }
0x7: {  	_ = 	snop  }
__scs_overlays_trampoline_lowered:
0x8: {  	[smem:$0x3FAC] =	sst s0  }
0x9: {  	[smem:$0x3FAD] =	sst s1  }
0xa: {  	[smem:$0x3FAE] =	sst s2  }
0xb: {  	[smem:$0x3FAF] =	sst s3  }
0xc: {  	[smem:$0x3FB0] =	sst s4  }
0xd: {  	[smem:$0x3FB1] =	sst s5  }
0xe: {  	[smem:$0x3FB2] =	sst s6  }
0xf: {  	[smem:$0x3FB3] =	sst s7  }
0x10: {  	[smem:$0x3FB4] =	sst s8  }
0x11: {  	[smem:$0x3FB5] =	sst s9;
	s0 =	simm.s32 @!p0 $0x0  }
0x12: {  	s1 =	sld [smem:$0x3F9B];
	s0 =	simm.s32 @p0 $0x1  }
0x13: {  	[smem:$0x3FB6] =	sst s0;
	s0 =	simm.s32 @!p1 $0x0  }
0x14: {  	s2 =	sld [smem:$0x3F9A];
	s0 =	simm.s32 @p1 $0x1  }
0x15: {  	[smem:$0x3FB7] =	sst s0;
	s0 =	simm.s32 @!p2 $0x0  }
0x16: {  	s3 =	sld [smem:$0x3FDB];
	s0 =	simm.s32 @p2 $0x1  }
0x17: {  	s4 =	simm.s32 $0x1BF5;
	[smem:$0x3FB9] =	sst s0  }
0x18: {  	s0 =	sld [smem:$0x3F9C];
	_ =	swait.ge [sflag:s4], $0x0  }
0x19: {  	s7 =	sld [smem:$0x3F9D]  }
0x1a: {  	s8 =	sadd.s32 $0xFFFFE003, lr  }
0x1b: {  	s9 =	sadd.s32 $0xFFFFFEF7, lr;
	s5 =	simm.s32 $0xFFFFFFFF;
	p2 =	slt.u32 s8, $0xFFFFF086  }
0x1c: {  	p1 =	slt.u32 s9, $0xF7A;
	s5 =	simm.s32 @!p2 $0x0  }
0x1d: {  	s5 =	simm.s32 @p1 $0x1;
	p0 =	seq.s32 s7, s2  }
0x1e: {  	s7 =	smul.u32 @!p0 $0xF7A, s2;
	p2 =	seq.s32 @!p0 s5, $0x0  }
0x1f: {  	s9 =	smul.u32 $0xF7A, s1;
	s8 =	simm.s32 @!p0 $0x1BF5;
	p2 =	por !p2, p0  }
0x20: {  	[sflag:s8] =	ssyncset.s32 @!p0 $0xFFFFF086;
	s6 =	sadd.s32 @!p0 s3, s7;
	s7 =	simm.s32 @!p0 $0x108  }
0x21: {  	s3 =	sadd.s32 s3, s9;
	s6 =	sadd.s32 @!p0 $0x88, s6;
	s7 =	simm.s32 @p2 $0x1082  }
0x22: {  	[simem:s7], [sflag:s8] =	dma.local @!p0 [hbm:s6], $0xF7A  }
0x23: {  	s9 =	sor.u32 $0xD0000000, s2;
	s6 =	simm.s32 $0x108;
	_ =	swait.ge @!p0 [sflag:s8], $0x0  }
0x24: {  	s3 =	sadd.s32 $0x88, s3;
	s6 =	simm.s32 @!p1 $0x1082;
	[sflag:s4] =	ssyncset.s32 $0xFFFFF086  }
0x25: {  	[simem:s6], [sflag:s4] =	dma.local [hbm:s3], $0xF7A  }
0x26: {  	[smem:$0x3F9D] =	sst s1;
	(tag) =	ssettag s2;
	_ =	strace s9  }
0x27: {  	s1 =	sld [smem:$0x3FAD]  }
0x28: {  	s2 =	sld [smem:$0x3FAE]  }
0x29: {  	s4 =	sld [smem:$0x3FB0]  }
0x2a: {  	p0 =	seq.s32 s5, $0x0;
	s5 =	sld [smem:$0x3FB1]  }
0x2b: {  	s6 =	sld [smem:$0x3FB2]  }
0x2c: {  	s7 =	sld [smem:$0x3FB3]  }
0x2d: {  	s3 =	simm.s32 $0x108;
	s8 =	sld [smem:$0x3FB4]  }
0x2e: {  	s3 =	simm.s32 @!p0 $0x1082;
	s9 =	sld [smem:$0x3FB5]  }
0x2f: {  	lr =	sadd.s32 s0, s3;
	s0 =	sld [smem:$0x3FAC]  }
0x30: {  	s3 =	sld [smem:$0x3FAF]  }
0x31: {  	[smem:$0x3FB8] =	sst s10  }
0x32: {  	s10 =	sld [smem:$0x3FB6];
	_ =	sdelay $0x3  }
0x33: {  	p0 =	seq.s32 s10, $0x1;
	s10 =	sld [smem:$0x3FB8];
	_ =	sdelay $0x3  }
0x34: {  	[smem:$0x3FB8] =	sst s10  }
0x35: {  	s10 =	sld [smem:$0x3FB7];
	_ =	sdelay $0x3  }
0x36: {  	p1 =	seq.s32 s10, $0x1;
	s10 =	sld [smem:$0x3FB8];
	_ =	sdelay $0x3  }
0x37: {  	[smem:$0x3FB8] =	sst s10  }
0x38: {  	s10 =	sld [smem:$0x3FB9]  }
0x39: {  	_ = 	snop;
	(pc) =	sbr.ind lr, $3  }
0x3a: {  	_ = 	snop  }
0x3b: {  	_ = 	snop  }
0x3c: {  	p2 =	seq.s32 s10, $0x1;
	s10 =	sld [smem:$0x3FB8]  }
0x3d: {  	_ =	shalt  }
0x3e: {  	_ =	shalt  }
0x3f: {  	_ =	shalt  }
0x40: {  	_ =	shalt  }
0x41: {  	_ =	shalt  }
0x42: {  	_ =	shalt  }
0x43: {  	_ =	shalt  }
0x44: {  	_ =	shalt  }
0x45: {  	_ =	shalt  }
0x46: {  	_ =	shalt  }
0x47: {  	_ =	shalt  }
0x48: {  	_ =	shalt  }
0x49: {  	_ =	shalt  }
0x4a: {  	_ =	shalt  }
0x4b: {  	_ =	shalt  }
0x4c: {  	_ =	shalt  }
0x4d: {  	_ =	shalt  }
0x4e: {  	_ =	shalt  }
0x4f: {  	_ =	shalt  }
0x50: {  	_ =	shalt  }
0x51: {  	_ =	shalt  }
0x52: {  	_ =	shalt  }
0x53: {  	_ =	shalt  }
0x54: {  	_ =	shalt  }
0x55: {  	_ =	shalt  }
0x56: {  	_ =	shalt  }
0x57: {  	_ =	shalt  }
0x58: {  	_ =	shalt  }
0x59: {  	_ =	shalt  }
0x5a: {  	_ =	shalt  }
0x5b: {  	_ =	shalt  }
0x5c: {  	_ =	shalt  }
0x5d: {  	_ =	shalt  }
0x5e: {  	_ =	shalt  }
0x5f: {  	_ =	shalt  }
0x60: {  	_ =	shalt  }
0x61: {  	_ =	shalt  }
0x62: {  	_ =	shalt  }
0x63: {  	_ =	shalt  }
0x64: {  	_ =	shalt  }
0x65: {  	_ =	shalt  }
0x66: {  	_ =	shalt  }
0x67: {  	_ =	shalt  }
0x68: {  	_ =	shalt  }
0x69: {  	_ =	shalt  }
0x6a: {  	_ =	shalt  }
0x6b: {  	_ =	shalt  }
0x6c: {  	_ =	shalt  }
0x6d: {  	_ =	shalt  }
0x6e: {  	_ =	shalt  }
0x6f: {  	_ =	shalt  }
0x70: {  	_ =	shalt  }
0x71: {  	_ =	shalt  }
0x72: {  	_ =	shalt  }
0x73: {  	_ =	shalt  }
0x74: {  	_ =	shalt  }
0x75: {  	_ =	shalt  }
0x76: {  	_ =	shalt  }
0x77: {  	_ =	shalt  }
0x78: {  	_ =	shalt  }
0x79: {  	_ =	shalt  }
0x7a: {  	_ =	shalt  }
0x7b: {  	_ =	shalt  }
0x7c: {  	_ =	shalt  }
0x7d: {  	_ =	shalt  }
0x7e: {  	_ =	shalt  }
0x7f: {  	_ =	shalt  }
0x80: {  	_ =	shalt  }
0x81: {  	_ =	shalt  }
0x82: {  	_ =	shalt  }
0x83: {  	_ =	shalt  }
0x84: {  	_ =	shalt  }
0x85: {  	_ =	shalt  }
0x86: {  	_ =	shalt  }
0x87: {  	_ =	shalt  }
.Lfunc_end0:
.L_simem_size_0:
called_computation_lowered:
.L_overlay_start_0:
0x88: {  	s2 =	sld [smem:$0x3FD9]  }
0x89: {  	s3 =	sld [smem:$0x3FFE];
	_ =	sdelay $0x1  }
0x8a: {  	s1 =	srdreg.scid  }
0x8b: {  	s0 =	sand.u32 $0x1, s1  }
0x8c: {  	s17 =	sshll.u32 s0, $0xA;
	s2 =	sadd.s32 s3, s2  }
0x8d: {  	s2 =	sadd.s32 s2, s17  }
0x8e: {  	[smem:$0x3FC4] =	sst s2  }
0x8f: {  	_ = 	snop  }
0x90: {  	s2 =	sld [smem:$0x3FC7]  }
0x91: {  	s18 =	sld [smem:$0x3FC6]  }
0x92: {  	s4 =	sld [smem:$0x3FD0];
	(tm) =	ssettm $0x1  }
0x93: {  	s5 =	sld [smem:$0x3FFB];
	_ =	sdelay $0x3  }
0x94: {  	_ =	strace s5  }
0x95: {  	s5 =	sld [smem:$0x3FFC];
	_ =	sdelay $0x3  }
0x96: {  	_ =	strace s5  }
0x97: {  	s5 =	sld [smem:$0x3FFD];
	_ =	sdelay $0x3  }
0x98: {  	_ =	strace s5  }
0x99: {  	_ =	strace $0x8FFFFFFF  }
0x9a: {  	s19 =	sld [smem:$0x3FDB];
	_ =	sdelay $0x1  }
0x9b: {  	s6 =	simm.s32 $_scs_section_size  }
0x9c: {  	s7 =	simm.s32 $_size__tile_overlayer_lowered;
	s8 =	simm.s32 $_tile_overlayer_lowered  }
0x9d: {  	s22 =	simm.s32 $0x1BFF;
	s21 =	sshll.u32 s8, $0x1;
	s5 =	sadd.s32 s6, s19  }
0x9e: {  	s9 =	simm.s32 $0x0;
	s20 =	sshll.u32 s7, $0x1;
	s7 =	sadd.s32 s21, s5  }
0x9f: {  	[timem:s9], [sflag:s22] =	dma.local [hbm:s7], s20  }
0xa0: {  	_ =	swait.ge [sflag:s22], s20  }
0xa1: {  	s6 =	ssub.s32 $0x0, s20;
	[sflag:s22] =	ssyncset.done $0x0  }
0xa2: {  	[sflag:s22] =	ssyncadd.s32 s6;
	_ =	sdelay $0x1  }
0xa3: {  	s23 =	simm.s32 $0x1B8B  }
0xa4: {  	_ =	swait.ge [sflag:s23], $0x1  }
0xa5: {  	[sflag:s23] =	ssyncset.done $0x0  }
0xa6: {  	s25 =	simm.s32 $0x1B8E;
	s24 =	sld [smem:$0x3FFE];
	[sflag:s23] =	ssyncadd.s32 $0xFFFFFFFF  }
0xa7: {  	s26 =	simm.s32 $execute0_lowered;
	[smem:$0x3FD2] =	sst s25  }
0xa8: {  	s7 =	sshll.u32 s26, $0x1;
	_ =	strace $0x80000046;
	[dreg:$0x1] =	wrdreg $0xFFFFFFFF  }
0xa9: {  	s28 =	simm.s32 $_size_execute0_lowered;
	s5 =	sadd.s32 s5, s7;
	[dreg:$0x0] =	wrdreg $0x0  }
0xaa: {  	s7 =	sshll.u32 s28, $0x1;
	[dreg:$0x2] =	wrdreg s5  }
0xab: {  	[dreg:$0x3] =	wrdreg s7  }
0xac: {  	[dreg:$0x4] =	wrdreg $0xC0  }
0xad: {  	_ =	task [dreg:s9], $0x5FFFF  }
0xae: {  	[dreg:$0x1] =	wrdreg $0xFFFFFFFF  }
0xaf: {  	[dreg:$0x0] =	wrdreg $0x60  }
0xb0: {  	[dreg:$0x2] =	wrdreg s24  }
0xb1: {  	[dreg:$0x3] =	wrdreg s2  }
0xb2: {  	[dreg:$0x4] =	wrdreg s18  }
0xb3: {  	[dreg:$0x5] =	wrdreg s4  }
0xb4: {  	[dreg:$0x6] =	wrdreg $0x9  }
0xb5: {  	_ =	task.clear_ibuf [dreg:s9], $0x7FFFF;
	_ =	strace $0x90000046  }
0xb6: {  	s29 =	simm.s32 $0x9;
	_ =	strace $0x80000048  }
0xb7: {  	_ =	swait.ge [sflag:s29], $0x1  }
0xb8: {  	[sflag:s29] =	ssyncadd.s32 $0xFFFFFFFF  }
0xb9: {  	_ =	strace $0x90000048  }
0xba: {  	_ =	sfence  }
0xbb: {  	s30 =	sld [smem:$0x0];
	_ =	sdelay $0x2  }
0xbc: {  	s31 =	sshll.u32 s1, $0xD;
	s1 =	sshrl.u32 s1, $0x2  }
0xbd: {  	s3 =	sand.u32 $0x4000, s31;
	s1 =	sadd.s32 s1, s30  }
0xbe: {  	s0 =	sor.u32 s3, s0;
	s1 =	sshll.u32 s1, $0x11  }
0xbf: {  	s0 =	sor.u32 s1, s0  }
0xc0: {  	s0 =	sadd.s32 $0x8F2B, s0  }
0xc1: {  	[sflag:s0] =	ssyncadd.remote.s32 $0x1  }
0xc2: {  	_ =	sfence.sel $0xFFFF  }
0xc3: {  	[dreg:$0x0] =	wrdreg $0xFFFFFFFF;
	(pc) =	sbr.abs _section_cstart, $3  }
0xc4: {  	[dreg:$0x1] =	wrdreg $0xFFFFFFFF  }
0xc5: {  	_ =	task.clear_ibuf [dreg:s9], $0x2FFFF;
	_ =	strace $0x9FFFFFFF  }
0xc6: {  	(tm) =	ssettm $0x7FFFFFFF  }
0xc7: {  	_ =	shalt  }
tec
execute0_lowered:
.L_overlay_start_1:
0x0: {  	(tag) =	ssettag $0x1  }
0x1: {  	s1 =	srdreg.scid;
	s6 =	rddreg [dreg:$0x0]  }
0x2: {  	s0 =	stileid.u32;
	s7 =	rddreg [dreg:$0x1]  }
0x3: {  	s2 =	rddreg [dreg:$0x2];
	s4 =	simm.s32 $0x1;
	s5 =	sand.u32 $0x1, s1  }
0x4: {  	s8 =	rddreg [dreg:$0x3];
	s3 =	simm.s32 $0x0;
	s1 =	sor.u32 s5, s0  }
0x5: {  	s14 =	simm.s32 $0x10180;
	p1 =	seq.s32 s5, $0x1;
	p0 =	seq.s32 s1, $0x0  }
0x6: {  	s15 =	simm.s32 $0x0;
	[smem:$0x7FF] =	sst s3;
	p0 =	por !p0, !p1  }
0x7: {  	s10 =	sshll.u32 s5, $0xF;
	s11 =	ssub.s32 $0x2, s5;
	p0 =	por !p0, !p0  }
0x8: {  	s13 =	sshll.u32 s5, $0xB;
	s5 =	sshll.u32 s5, $0x4;
	s4 =	simm.s32 @!p0 $0x0  }
0x9: {  	s1 =	rddreg [dreg:$0x4];
	_ =	strace $0x80000047;
	s9 =	ssub.s32 s0, s4  }
0xa: {  	s30 =	sshrl.u32 s11, $0x1;
	s4 =	sshll.u32 s9, $0x10;
	s12 =	sshrl.u32 s9, $0x3  }
0xb: {  	s9 =	sshll.u32 s9, $0x7;
	s10 =	sor.u32 s10, s4;
	s4 =	simm.s32 $0x1  }
0xc: {  	s31 =	sshll.u32 s12, $0xC;
	s12 =	sshll.u32 s12, $0xA;
	s10 =	sshrl.u32 s10, $0x3  }
0xd: {  	s9 =	sand.u32 $0x380, s9;
	s12 =	sor.u32 s5, s12;
	s6 =	sadd.s32 s10, s6  }
0xe: {  	s10 =	ssub.s32 s11, s30;
	s11 =	sor.u32 s13, s31;
	s13 =	simm.s32 $0x10100  }
0xf: {  	s5 =	sadd.s32 $0x600, s6;
	s11 =	sor.u32 s9, s11;
	s9 =	sor.u32 s9, s12  }
0x10: {  	s6 =	sadd.s32 $0x20600, s6;
	s11 =	sshrl.u32 s11, $0x3;
	s9 =	sshrl.u32 s9, $0x3  }
0x11: {  	s12 =	simm.s32 $0x10000;
	s7 =	sadd.s32 s7, s11;
	s8 =	sadd.s32 s8, s9  }
0x12: {  	v0 =	vlaneseq.u32;
	s9 =	smax.u32 s10, $0x1;
	s10 =	simm.s32 $0x8000;
	s11 =	simm.s32 $0x400  }
.LBB2_1:
0x13: {  	[tilespmem:s3], [sflag:$0x1] =	stream.linear.gather [hbm4b:s5+s3], $0x8000, $0x38;
	[tilespmem:$0x10200] =	vst v63  }
0x14: {  	_ =	swait.ge [sflag:s4], $0x8000  }
0x15: {  	[sflag:s4] =	ssyncset.done $0x0  }
0x16: {  	[sflag:s4] =	ssyncadd.s32 $0xFFFF8000  }
0x17: {  	[tilespmem:s10], [sflag:$0x1] =	stream.linear.gather [hbm4b:s6+s3], $0x8000, $0x38;
	[tilespmem:$0x10200] =	vst v63  }
0x18: {  	_ =	swait.ge [sflag:s4], $0x8000  }
0x19: {  	[sflag:s4] =	ssyncset.done $0x0  }
0x1a: {  	s16 =	simm.s32 $0x80;
	[sflag:s4] =	ssyncadd.s32 $0xFFFF8000  }
0x1b: {  	[tilespmem:s12], [sflag:$0x1] =	stream.strided.gather [hbm4b:s7+s16], $0x100, s11, s16, $0x38;
	[tilespmem:$0x10200] =	vst v63  }
0x1c: {  	_ =	swait.ge [sflag:s4], $0x100  }
0x1d: {  	[sflag:s4] =	ssyncset.done $0x0  }
0x1e: {  	[sflag:s4] =	ssyncadd.s32 $0xFFFFFF00  }
0x1f: {  	[tilespmem:s13], [sflag:$0x1] =	stream.linear.gather [hbm4b:s2+s3], $0x80, $0x38;
	[tilespmem:$0x10200] =	vst v63  }
0x20: {  	_ =	swait.ge [sflag:s4], $0x80  }
0x21: {  	[sflag:s4] =	ssyncset.done $0x0  }
0x22: {  	[sflag:s4] =	ssyncadd.s32 $0xFFFFFF80  }
0x23: {  	v2 =	vld [tilespmem:$0x10100];
	_ =	sdelay $0x3  }
0x24: {  	v4 =	vimm.f32 $0.0e+00  }
0x25: {  	s17 =	simm.s32 $0x8080;
	s18 =	simm.s32 $0x0;
	v1 =	vbroadcast v2, $0xC;
	v3 =	vbroadcast v2, $0xD;
	v2 =	vimm.f32 $0.0e+00  }
.LBB2_2:
0x26: {  	v13 =	vld [tilespmem:s16+$0x30]  }
0x27: {  	v14 =	vld [tilespmem:s16+$0xFFFFFFB0]  }
0x28: {  	v5 =	vld [tilespmem:s16+$0x20]  }
0x29: {  	v6 =	vld [tilespmem:s16+$0xFFFFFFA0]  }
0x2a: {  	v7 =	vld [tilespmem:s16+$0x10]  }
0x2b: {  	v8 =	vld [tilespmem:s16+$0xFFFFFF90]  }
0x2c: {  	v10 =	vld [tilespmem:s16+$0x0]  }
0x2d: {  	v11 =	vld [tilespmem:s17+$0x30]  }
0x2e: {  	v9 =	vld [tilespmem:s17+$0x20]  }
0x2f: {  	v12 =	vld [tilespmem:s17+$0x10]  }
0x30: {  	v15 =	vld [tilespmem:s17+$0xFFFFFFA0]  }
0x31: {  	v16 =	vld [tilespmem:s16+$0xFFFFFF80]  }
0x32: {  	v17 =	vld [tilespmem:s17+$0xFFFFFFB0]  }
0x33: {  	v19 =	vld [tilespmem:s17+$0x0]  }
0x34: {  	v18 =	vld [tilespmem:s17+$0xFFFFFF90];
	v20 =	vadd.s32 $0x3, v11  }
0x35: {  	v21 =	vld [tilespmem:s17+$0xFFFFFF80];
	v24 =	vadd.s32 $0x6, v9  }
0x36: {  	v26 =	vadd.s32 $0x9, v11;
	v23 =	vld.idx.msk [tilespmem:v9+s13+$0x0], $0xffff  }
0x37: {  	v29 =	vadd.s32 $0x6, v12;
	v25 =	vld.idx.msk [tilespmem:v12+s13+$0x0], $0xffff  }
0x38: {  	v30 =	vadd.s32 $0x9, v19;
	v27 =	vld.idx.msk [tilespmem:v15+s13+$0x0], $0xffff  }
0x39: {  	v31 =	vadd.s32 $0x6, v19;
	v20 =	vld.idx.msk [tilespmem:v20+s13+$0x0], $0xffff  }
0x3a: {  	v32 =	vadd.s32 $0x9, v12;
	v24 =	vld.idx.msk [tilespmem:v24+s13+$0x0], $0xffff  }
0x3b: {  	v33 =	vadd.s32 $0x9, v21;
	v26 =	vld.idx.msk [tilespmem:v26+s13+$0x0], $0xffff  }
0x3c: {  	v34 =	vadd.s32 $0x6, v21;
	v29 =	vld.idx.msk [tilespmem:v29+s13+$0x0], $0xffff  }
0x3d: {  	v22 =	vadd.s32 $0x3, v9;
	v9 =	vadd.s32 $0x9, v9;
	v30 =	vld.idx.msk [tilespmem:v30+s13+$0x0], $0xffff  }
0x3e: {  	v35 =	vadd.s32 $0x9, v18;
	v31 =	vld.idx.msk [tilespmem:v31+s13+$0x0], $0xffff  }
0x3f: {  	v28 =	vadd.s32 $0x9, v17;
	v32 =	vld.idx.msk [tilespmem:v32+s13+$0x0], $0xffff  }
0x40: {  	v36 =	vadd.s32 $0x6, v18;
	v33 =	vld.idx.msk [tilespmem:v33+s13+$0x0], $0xffff  }
0x41: {  	v38 =	vadd.s32 $0x6, v11;
	v34 =	vld.idx.msk [tilespmem:v34+s13+$0x0], $0xffff  }
0x42: {  	v37 =	vadd.s32 $0x9, v15;
	v9 =	vld.idx.msk [tilespmem:v9+s13+$0x0], $0xffff  }
0x43: {  	v39 =	vadd.s32 $0x6, v15;
	v35 =	vld.idx.msk [tilespmem:v35+s13+$0x0], $0xffff;
	v30 =	vmul.f32 v30, v10  }
0x44: {  	v40 =	vadd.s32 $0x6, v17;
	v42 =	vadd.s32 $0x3, v19;
	v43 =	vadd.s32 $0x3, v18;
	v28 =	vld.idx.msk [tilespmem:v28+s13+$0x0], $0xffff  }
0x45: {  	v57 =	vadd.s32 $0x3, v21;
	v36 =	vld.idx.msk [tilespmem:v36+s13+$0x0], $0xffff;
	v30 =	vsub.f32 v31, v30;
	v31 =	vmul.f32 v32, v7  }
0x46: {  	v12 =	vadd.s32 $0x3, v12;
	v15 =	vadd.s32 $0x3, v15;
	v56 =	vld.idx.msk [tilespmem:v38+s13+$0x0], $0xffff;
	v33 =	vmul.f32 v33, v16  }
0x47: {  	v37 =	vld.idx.msk [tilespmem:v37+s13+$0x0], $0xffff;
	v9 =	vmul.f32 v9, v5;
	v30 =	vmul.f32 $1.442695020e+00, v30;
	v29 =	vsub.f32 v29, v31  }
0x48: {  	v39 =	vld.idx.msk [tilespmem:v39+s13+$0x0], $0xffff;
	v26 =	vmul.f32 v26, v13;
	v58 =	vmul.f32 v35, v8;
	v31 =	vsub.f32 v34, v33  }
0x49: {  	v61 =	vld.idx.msk [tilespmem:v42+s13+$0x0], $0xffff;
	v9 =	vsub.f32 v24, v9;
	v29 =	vmul.f32 $1.442695020e+00, v29;
	(erf) = vpow2.f32 v30  }
0x4a: {  	v62 =	vld.idx.msk [tilespmem:v43+s13+$0x0], $0xffff;
	v30 =	vmul.f32 $1.442695020e+00, v31;
	v31 =	vsub.f32 v36, v58  }
0x4b: {  	v12 =	vld.idx.msk [tilespmem:v12+s13+$0x0], $0xffff;
	v26 =	vsub.f32 v56, v26;
	v9 =	vmul.f32 $1.442695020e+00, v9;
	(erf) = vpow2.f32 v29  }
0x4c: {  	v15 =	vld.idx.msk [tilespmem:v15+s13+$0x0], $0xffff;
	v31 =	vmul.f32 $1.442695020e+00, v31;
	(erf) = vpow2.f32 v30  }
0x4d: {  	v26 =	vmul.f32 $1.442695020e+00, v26;
	v29 =	vld.idx.msk [tilespmem:v57+s13+$0x0], $0xffff;
	(erf) = vpow2.f32 v9  }
0x4e: {  	v59 =	vld.idx.msk [tilespmem:v40+s13+$0x0], $0xffff;
	v28 =	vmul.f32 v28, v14;
	(erf) = vpow2.f32 v31  }
0x4f: {  	v21 =	vld.idx.msk [tilespmem:v21+s13+$0x0], $0xffff;
	v60 =	vmul.f32 v37, v6;
	(erf) = vpow2.f32 v26  }
0x50: {  	v19 =	vld.idx.msk [tilespmem:v19+s13+$0x0], $0xffff;
	v10 =	vmul.f32 v61, v10;
	v7 =	vmul.f32 v12, v7  }
0x51: {  	v18 =	vld.idx.msk [tilespmem:v18+s13+$0x0], $0xffff;
	v8 =	vmul.f32 v62, v8;
	v15 =	vmul.f32 v15, v6  }
0x52: {  	v7 =	vsub.f32 v25, v7;
	v30 =	vsub.f32 v39, v60;
	v6 =	vmul.f32 v29, v16;
	v16 =	vpop (erf)  }
0x53: {  	v13 =	vmul.f32 v20, v13;
	v9 =	vsub.f32 v59, v28;
	v16 =	vadd.f32 $0.0e+00, v16  }
0x54: {  	v41 =	vadd.s32 $0x3, v17;
	v22 =	vld.idx.msk [tilespmem:v22+s13+$0x0], $0xffff;
	v7 =	vmul.f32 $1.442695020e+00, v7;
	v28 =	vmul.f32 $1.442695020e+00, v30;
	v25 =	vpop (erf)  }
0x55: {  	v19 =	vsub.f32 v19, v10;
	v26 =	vmul.f32 $1.442695020e+00, v9;
	v16 =	vadd.f32 v25, v16;
	v25 =	vpop (erf)  }
0x56: {  	v18 =	vsub.f32 v18, v8;
	(erf) = vpow2.f32 v28;
	v21 =	vsub.f32 v21, v6;
	v8 =	vpop (erf)  }
0x57: {  	s21 =	sadd.s32 $0x100, s17;
	v17 =	vld.idx.msk [tilespmem:v17+s13+$0x0], $0xffff;
	v15 =	vsub.f32 v27, v15;
	(erf) = vpow2.f32 v26;
	v16 =	vadd.f32 v8, v16;
	v27 =	vpop (erf)  }
0x58: {  	s20 =	sadd.s32 $0x100, s16;
	v20 =	vld [tilespmem:s21+$0x0];
	v21 =	vmul.f32 $1.442695020e+00, v21;
	(erf) = vpow2.f32 v7;
	v7 =	vpop (erf)  }
0x59: {  	v22 =	vmul.f32 v22, v5;
	v10 =	vld [tilespmem:s20+$0x10];
	v19 =	vmul.f32 $1.442695020e+00, v19;
	v16 =	vadd.f32 v7, v16  }
0x5a: {  	v18 =	vmul.f32 $1.442695020e+00, v18;
	v24 =	vld.idx.msk [tilespmem:v41+s13+$0x0], $0xffff;
	(erf) = vpow2.f32 v21  }
0x5b: {  	v22 =	vsub.f32 v23, v22;
	v23 =	vld [tilespmem:s21+$0xFFFFFF80];
	v15 =	vmul.f32 $1.442695020e+00, v15;
	(erf) = vpow2.f32 v19;
	(xrf2) =	vadd.scan.msk.f32 $0xffff, v16  }
0x5c: {  	v5 =	vld [tilespmem:s20+$0xFFFFFFB0];
	(erf) = vpow2.f32 v18  }
0x5d: {  	v12 =	vld [tilespmem:s20+$0x20];
	(erf) = vpow2.f32 v15;
	v15 =	vadd.f32 $0.0e+00, v25  }
0x5e: {  	v26 =	vld.idx.msk [tilespmem:v11+s13+$0x0], $0xffff;
	v18 =	vmul.f32 $1.442695020e+00, v22  }
0x5f: {  	v14 =	vmul.f32 v24, v14;
	v30 =	vld [tilespmem:s21+$0x20];
	v15 =	vadd.f32 v27, v15  }
0x60: {  	v9 =	vld [tilespmem:s20+$0x30];
	v16 =	vpop (erf)  }
0x61: {  	v17 =	vsub.f32 v17, v14;
	v14 =	vld [tilespmem:s20+$0xFFFFFF80];
	v15 =	vadd.f32 v16, v15  }
0x62: {  	v21 =	vld [tilespmem:s21+$0x10];
	(erf) = vpow2.f32 v18;
	v18 =	vpop (erf)  }
0x63: {  	v19 =	vsub.f32 v26, v13;
	v7 =	vld [tilespmem:s21+$0x30];
	v16 =	vmul.f32 $1.442695020e+00, v17;
	v15 =	vadd.f32 v18, v15  }
0x64: {  	v22 =	vld [tilespmem:s21+$0xFFFFFFA0];
	v25 =	vpop (erf)  }
0x65: {  	v6 =	vld [tilespmem:s20+$0xFFFFFFA0];
	v19 =	vmul.f32 $1.442695020e+00, v19;
	(erf) = vpow2.f32 v16;
	v29, _, _ =	vpop (xrf2);
	(xrf2) =	vadd.scan.msk.f32 $0xffff, v15  }
0x66: {  	v11 =	vld [tilespmem:s20+$0x0];
	v26 =	vpop (erf)  }
0x67: {  	v13 =	vld [tilespmem:s21+$0xFFFFFFB0];
	v18 =	vadd.f32 $0.0e+00, v26;
	v26 =	vpop (erf);
	(erf) = vpow2.f32 v19  }
0x68: {  	v8 =	vld [tilespmem:s20+$0xFFFFFF90];
	v24 =	vadd.s32 $0x3, v7;
	v27 =	vpop (erf)  }
0x69: {  	v28 =	vadd.s32 $0x3, v30;
	v17 =	vld [tilespmem:s21+$0xFFFFFF90];
	v27 =	vadd.f32 v27, v18  }
0x6a: {  	v33 =	vadd.s32 $0x6, v30;
	v16 =	vld.idx.msk [tilespmem:v30+s13+$0x0], $0xffff  }
0x6b: {  	s19 =	simm.s32 $0x0;
	v32 =	vadd.s32 $0x9, v7;
	v19 =	vld.idx.msk [tilespmem:v21+s13+$0x0], $0xffff;
	v26 =	vadd.f32 $0.0e+00, v26  }
0x6c: {  	v31 =	vmov s19;
	v34 =	vadd.s32 $0x6, v21;
	v35 =	vadd.s32 $0x9, v13;
	v63 =	vpop (erf);
	v18 =	vld.idx.msk [tilespmem:v22+s13+$0x0], $0xffff  }
0x6d: {  	s22 =	simm.s32 $0x4;
	s23 =	simm.s32 $0x1;
	s19 =	simm.s32 $0x2;
	v24 =	vld.idx.msk [tilespmem:v24+s13+$0x0], $0xffff;
	v26 =	vadd.f32 v25, v26;
	v25 =	vadd.f32 v63, v27;
	v15 =	vimm.f32 $0.0e+00;
	v27 =	vpop (erf)  }
.LBB2_3:
0x6e: {  	p0 =	sne.s32 s22, $0xE;
	v28 =	vld.idx.msk [tilespmem:v28+s13+$0x0], $0xffff;
	v30 =	vadd.s32 $0x9, v30;
	vm0 =	veq.s32 v31, v0;
	v31 =	vmov s23;
	v36 =	vpop (erf)  }
0x6f: {  	v37 =	vadd.s32 $0x9, v20;
	v33 =	vld.idx.msk [tilespmem:v33+s13+$0x0], $0xffff;
	v26 =	vadd.f32 v27, v26;
	v25 =	vadd.f32 v36, v25;
	v27, _, _ =	vpop (xrf2)  }
0x70: {  	v38 =	vadd.s32 $0x9, v21;
	v36 =	vadd.s32 $0x6, v20;
	v32 =	vld.idx.msk [tilespmem:v32+s13+$0x0], $0xffff;
	v27 =	vbroadcast v27, $0xF;
	v39 =	vpop (erf)  }
0x71: {  	v29 =	vbroadcast v29, $0xF;
	v35 =	vld.idx.msk [tilespmem:v35+s13+$0x0], $0xffff;
	v26 =	vadd.f32 v39, v26;
	v4 =	vadd.f32 v25, v4  }
0x72: {  	v25 =	vadd.s32 $0x9, v23;
	v34 =	vld.idx.msk [tilespmem:v34+s13+$0x0], $0xffff;
	v15 =	vsel vm0, v27, v15;
	vm0 =	veq.s32 v31, v0  }
0x73: {  	v27 =	vadd.s32 $0x6, v23;
	v30 =	vld.idx.msk [tilespmem:v30+s13+$0x0], $0xffff;
	v15 =	vsel vm0, v29, v15;
	v4 =	vadd.f32 v26, v4  }
0x74: {  	v29 =	vadd.s32 $0x9, v17;
	v26 =	vld.idx.msk [tilespmem:v37+s13+$0x0], $0xffff  }
0x75: {  	v31 =	vld.idx.msk [tilespmem:v36+s13+$0x0], $0xffff;
	v36 =	vadd.s32 $0x6, v17  }
0x76: {  	v37 =	vld.idx.msk [tilespmem:v38+s13+$0x0], $0xffff;
	v38 =	vadd.s32 $0x9, v22  }
0x77: {  	v39 =	vadd.s32 $0x6, v7;
	v25 =	vld.idx.msk [tilespmem:v25+s13+$0x0], $0xffff  }
0x78: {  	v40 =	vadd.s32 $0x6, v22;
	v27 =	vld.idx.msk [tilespmem:v27+s13+$0x0], $0xffff  }
0x79: {  	v21 =	vadd.s32 $0x3, v21;
	v41 =	vadd.s32 $0x3, v13;
	v29 =	vld.idx.msk [tilespmem:v29+s13+$0x0], $0xffff  }
0x7a: {  	v42 =	vadd.s32 $0x6, v13;
	v22 =	vadd.s32 $0x3, v22;
	v26 =	vmul.f32 v26, v11;
	v36 =	vld.idx.msk [tilespmem:v36+s13+$0x0], $0xffff  }
0x7b: {  	v43 =	vadd.s32 $0x3, v20;
	v44 =	vadd.s32 $0x3, v17;
	v24 =	vmul.f32 v24, v9;
	v38 =	vld.idx.msk [tilespmem:v38+s13+$0x0], $0xffff  }
0x7c: {  	v28 =	vmul.f32 v28, v12;
	v26 =	vsub.f32 v31, v26;
	v31 =	vmul.f32 v37, v10;
	v37 =	vld.idx.msk [tilespmem:v39+s13+$0x0], $0xffff  }
0x7d: {  	v9 =	vmul.f32 v32, v9;
	v39 =	vadd.s32 $0x3, v23;
	v25 =	vmul.f32 v25, v14;
	v40 =	vld.idx.msk [tilespmem:v40+s13+$0x0], $0xffff  }
0x7e: {  	v12 =	vmul.f32 v30, v12;
	v26 =	vmul.f32 $1.442695020e+00, v26;
	v31 =	vsub.f32 v34, v31;
	v23 =	vld.idx.msk [tilespmem:v23+s13+$0x0], $0xffff  }
0x7f: {  	v30 =	vmul.f32 v35, v5;
	v25 =	vsub.f32 v27, v25;
	v27 =	vmul.f32 v29, v8;
	v29 =	vld.idx.msk [tilespmem:v42+s13+$0x0], $0xffff  }
0x80: {  	v12 =	vsub.f32 v33, v12;
	v31 =	vmul.f32 $1.442695020e+00, v31;
	v32 =	vld.idx.msk [tilespmem:v41+s13+$0x0], $0xffff;
	(erf) = vpow2.f32 v26  }
0x81: {  	v25 =	vmul.f32 $1.442695020e+00, v25;
	v26 =	vsub.f32 v36, v27;
	v27 =	vmul.f32 v38, v6;
	v21 =	vld.idx.msk [tilespmem:v21+s13+$0x0], $0xffff  }
0x82: {  	v12 =	vmul.f32 $1.442695020e+00, v12;
	v9 =	vsub.f32 v37, v9;
	v22 =	vld.idx.msk [tilespmem:v22+s13+$0x0], $0xffff;
	(erf) = vpow2.f32 v31  }
0x83: {  	v26 =	vmul.f32 $1.442695020e+00, v26;
	v27 =	vsub.f32 v40, v27;
	v31 =	vld.idx.msk [tilespmem:v39+s13+$0x0], $0xffff;
	(erf) = vpow2.f32 v25  }
0x84: {  	v9 =	vmul.f32 $1.442695020e+00, v9;
	v25 =	vld.idx.msk [tilespmem:v43+s13+$0x0], $0xffff;
	(erf) = vpow2.f32 v12  }
0x85: {  	v12 =	vmul.f32 $1.442695020e+00, v27;
	v27 =	vsub.f32 v29, v30;
	v33 =	vld.idx.msk [tilespmem:v44+s13+$0x0], $0xffff;
	(erf) = vpow2.f32 v26  }
0x86: {  	v26 =	vmul.f32 v32, v5;
	v20 =	vld.idx.msk [tilespmem:v20+s13+$0x0], $0xffff;
	(erf) = vpow2.f32 v9  }
0x87: {  	s20 =	sadd.s32 $0x100, s20;
	v27 =	vmul.f32 $1.442695020e+00, v27;
	v17 =	vld.idx.msk [tilespmem:v17+s13+$0x0], $0xffff;
	(erf) = vpow2.f32 v12  }
0x88: {  	v10 =	vmul.f32 v21, v10;
	v6 =	vmul.f32 v22, v6;
	v9 =	vld [tilespmem:s20+$0x30]  }
0x89: {  	v16 =	vsub.f32 v16, v28;
	v14 =	vmul.f32 v31, v14;
	v5 =	vld [tilespmem:s20+$0xFFFFFFB0];
	v21 =	vpop (erf);
	(erf) = vpow2.f32 v27  }
0x8a: {  	v22 =	vsub.f32 v19, v10;
	v11 =	vmul.f32 v25, v11;
	v12 =	vld [tilespmem:s20+$0x20];
	v21 =	vadd.f32 $0.0e+00, v21  }
0x8b: {  	v18 =	vsub.f32 v18, v6;
	v14 =	vsub.f32 v23, v14;
	v8 =	vmul.f32 v33, v8;
	v13 =	vld.idx.msk [tilespmem:v13+s13+$0x0], $0xffff;
	v19 =	vpop (erf)  }
0x8c: {  	v25 =	vsub.f32 v20, v11;
	v20 =	vmul.f32 $1.442695020e+00, v22;
	v6 =	vld [tilespmem:s20+$0xFFFFFFA0];
	v19 =	vadd.f32 v19, v21;
	v10 =	vpop (erf)  }
0x8d: {  	v27 =	vmul.f32 $1.442695020e+00, v14;
	v17 =	vsub.f32 v17, v8;
	v21 =	vadd.f32 $0.0e+00, v10;
	v22 =	vld.idx.msk [tilespmem:v7+s13+$0x0], $0xffff;
	v7 =	vpop (erf)  }
0x8e: {  	v23 =	vmul.f32 $1.442695020e+00, v25;
	v10 =	vld [tilespmem:s20+$0x10];
	v7 =	vadd.f32 v7, v19;
	v11 =	vpop (erf);
	(erf) = vpow2.f32 v20  }
0x8f: {  	v25 =	vmul.f32 $1.442695020e+00, v17;
	v8 =	vld [tilespmem:s20+$0xFFFFFF90];
	v19 =	vadd.f32 v11, v21;
	(erf) = vpow2.f32 v27;
	v14 =	vpop (erf)  }
0x90: {  	s21 =	sadd.s32 $0x100, s21;
	v18 =	vmul.f32 $1.442695020e+00, v18;
	v11 =	vld [tilespmem:s20+$0x0];
	v14 =	vadd.f32 v14, v7;
	(erf) = vpow2.f32 v23;
	v20 =	vpop (erf)  }
0x91: {  	v13 =	vsub.f32 v13, v26;
	v7 =	vld [tilespmem:s21+$0x30];
	v19 =	vadd.f32 v20, v19;
	(erf) = vpow2.f32 v25  }
0x92: {  	v16 =	vmul.f32 $1.442695020e+00, v16;
	v30 =	vld [tilespmem:s21+$0x20];
	(erf) = vpow2.f32 v18;
	v17 =	vpop (erf);
	(xrf2) =	vadd.scan.msk.f32 $0xffff, v14  }
0x93: {  	v13 =	vmul.f32 $1.442695020e+00, v13;
	v18 =	vsub.f32 v22, v24;
	v21 =	vld [tilespmem:s21+$0x10];
	v17 =	vadd.f32 v17, v19  }
0x94: {  	v22 =	vld [tilespmem:s21+$0xFFFFFFA0];
	(erf) = vpow2.f32 v16  }
0x95: {  	v18 =	vmul.f32 $1.442695020e+00, v18;
	v14 =	vld [tilespmem:s20+$0xFFFFFF80];
	(erf) = vpow2.f32 v13;
	(xrf2) =	vadd.scan.msk.f32 $0xffff, v17  }
0x96: {  	v13 =	vld [tilespmem:s21+$0xFFFFFFB0]  }
0x97: {  	v17 =	vld [tilespmem:s21+$0xFFFFFF90];
	v25 =	vpop (erf);
	(erf) = vpow2.f32 v18  }
0x98: {  	v24 =	vadd.s32 $0x3, v7;
	v20 =	vld [tilespmem:s21+$0x0];
	v16 =	vpop (erf)  }
.Ltmp0:
0x99: {  	v28 =	vadd.s32 $0x3, v30;
	v23 =	vld [tilespmem:s21+$0xFFFFFF80];
	v18 =	vadd.f32 $0.0e+00, v16;
	v26 =	vpop (erf);
	(pc) =	sbr.rel @p0 .LBB2_3-.Ltmp0, $4  }
0x9a: {  	v33 =	vadd.s32 $0x6, v30;
	v16 =	vld.idx.msk [tilespmem:v30+s13+$0x0], $0xffff;
	v27 =	vpop (erf)  }
0x9b: {  	v32 =	vadd.s32 $0x9, v7;
	v26 =	vadd.f32 $0.0e+00, v26;
	v19 =	vld.idx.msk [tilespmem:v21+s13+$0x0], $0xffff;
	v37 =	vadd.f32 v27, v18;
	v36 =	vpop (erf)  }
0x9c: {  	v31 =	vmov s19;
	v35 =	vadd.s32 $0x9, v13;
	v18 =	vld.idx.msk [tilespmem:v22+s13+$0x0], $0xffff;
	v29, _, _ =	vpop (xrf2)  }
0x9d: {  	s23 =	sadd.s32 $0x1, s19;
	s19 =	smov.u32 s22;
	s22 =	sadd.s32 $0x2, s22;
	v34 =	vadd.s32 $0x6, v21;
	v26 =	vadd.f32 v25, v26;
	v24 =	vld.idx.msk [tilespmem:v24+s13+$0x0], $0xffff;
	v25 =	vadd.f32 v36, v37;
	v27 =	vpop (erf)  }
0x9e: {  	_ =	sdelay $0x2  }
0x9f: {  	v30 =	vadd.s32 $0x9, v30  }
0xa0: {  	v36 =	vadd.s32 $0x9, v20;
	v33 =	vld.idx.msk [tilespmem:v33+s13+$0x0], $0xffff  }
0xa1: {  	v37 =	vadd.s32 $0x6, v20;
	v32 =	vld.idx.msk [tilespmem:v32+s13+$0x0], $0xffff  }
0xa2: {  	v38 =	vadd.s32 $0x9, v21;
	v35 =	vld.idx.msk [tilespmem:v35+s13+$0x0], $0xffff  }
0xa3: {  	v39 =	vadd.s32 $0x9, v23;
	v34 =	vld.idx.msk [tilespmem:v34+s13+$0x0], $0xffff  }
0xa4: {  	v40 =	vadd.s32 $0x6, v23;
	v30 =	vld.idx.msk [tilespmem:v30+s13+$0x0], $0xffff  }
0xa5: {  	v41 =	vadd.s32 $0x9, v17;
	v36 =	vld.idx.msk [tilespmem:v36+s13+$0x0], $0xffff  }
0xa6: {  	v43 =	vadd.s32 $0x9, v22;
	v37 =	vld.idx.msk [tilespmem:v37+s13+$0x0], $0xffff  }
0xa7: {  	v42 =	vadd.s32 $0x6, v17;
	v38 =	vld.idx.msk [tilespmem:v38+s13+$0x0], $0xffff  }
0xa8: {  	v44 =	vadd.s32 $0x6, v7;
	v39 =	vld.idx.msk [tilespmem:v39+s13+$0x0], $0xffff  }
0xa9: {  	v45 =	vadd.s32 $0x6, v22;
	v40 =	vld.idx.msk [tilespmem:v40+s13+$0x0], $0xffff  }
0xaa: {  	v41 =	vld.idx.msk [tilespmem:v41+s13+$0x0], $0xffff  }
0xab: {  	v46 =	vadd.s32 $0x6, v13;
	v55 =	vld.idx.msk [tilespmem:v43+s13+$0x0], $0xffff;
	v36 =	vmul.f32 v36, v11  }
0xac: {  	v42 =	vld.idx.msk [tilespmem:v42+s13+$0x0], $0xffff;
	v38 =	vmul.f32 v38, v10  }
0xad: {  	v56 =	vld.idx.msk [tilespmem:v44+s13+$0x0], $0xffff;
	v32 =	vmul.f32 v32, v9;
	v39 =	vmul.f32 v39, v14;
	v36 =	vsub.f32 v37, v36  }
0xae: {  	v57 =	vld.idx.msk [tilespmem:v45+s13+$0x0], $0xffff;
	v35 =	vmul.f32 v35, v5;
	v30 =	vmul.f32 v30, v12;
	v34 =	vsub.f32 v34, v38  }
0xaf: {  	v58 =	vmul.f32 v41, v8;
	v39 =	vsub.f32 v40, v39;
	v36 =	vmul.f32 $1.442695020e+00, v36  }
0xb0: {  	v59 =	vld.idx.msk [tilespmem:v46+s13+$0x0], $0xffff;
	v30 =	vsub.f32 v33, v30;
	v37 =	vmul.f32 v55, v6;
	v34 =	vmul.f32 $1.442695020e+00, v34  }
0xb1: {  	v61 =	vsub.f32 v42, v58;
	v60 =	vmul.f32 $1.442695020e+00, v39;
	(erf) = vpow2.f32 v36  }
0xb2: {  	v32 =	vsub.f32 v56, v32;
	v30 =	vmul.f32 $1.442695020e+00, v30;
	(erf) = vpow2.f32 v34  }
0xb3: {  	v62 =	vmul.f32 $1.442695020e+00, v61;
	v63 =	vsub.f32 v57, v37;
	(erf) = vpow2.f32 v60  }
0xb4: {  	v32 =	vmul.f32 $1.442695020e+00, v32;
	(erf) = vpow2.f32 v30  }
0xb5: {  	v37 =	vsub.f32 v59, v35;
	v36 =	vmul.f32 $1.442695020e+00, v63;
	(erf) = vpow2.f32 v62  }
0xb6: {  	(erf) = vpow2.f32 v32  }
0xb7: {  	v38 =	vmul.f32 $1.442695020e+00, v37;
	(erf) = vpow2.f32 v36  }
0xb8: {  	v30 =	vpop (erf)  }
0xb9: {  	v33 =	vpop (erf);
	(erf) = vpow2.f32 v38  }
0xba: {  	v39 =	vpop (erf)  }
0xbb: {  	v40 =	vpop (erf)  }
0xbc: {  	v32 =	vadd.f32 $0.0e+00, v39;
	v41 =	vpop (erf)  }
0xbd: {  	v35 =	vadd.f32 $0.0e+00, v41;
	v42 =	vpop (erf)  }
0xbe: {  	v32 =	vadd.f32 v40, v32;
	v43 =	vpop (erf)  }
0xbf: {  	v34 =	vadd.f32 v43, v35;
	v44 =	vpop (erf)  }
0xc0: {  	v32 =	vadd.f32 v42, v32;
	v45 =	vpop (erf)  }
0xc1: {  	v34 =	vadd.f32 v45, v34  }
0xc2: {  	v32 =	vadd.f32 v44, v32;
	v46 =	vpop (erf)  }
0xc3: {  	v34 =	vadd.f32 v46, v34  }
0xc4: {  	(xrf2) =	vadd.scan.msk.f32 $0xffff, v32  }
0xc5: {  	(xrf2) =	vadd.scan.msk.f32 $0xffff, v34;
	_ =	sdelay $0x3  }
0xc6: {  	v50 =	vadd.s32 $0x3, v22;
	_ =	sdelay $0x2  }
0xc7: {  	v48 =	vadd.s32 $0x3, v21;
	v49, _, _ =	vpop (xrf2)  }
0xc8: {  	vm0 =	veq.s32 v31, v0;
	v54 =	vadd.s32 $0x3, v20;
	v51 =	vbroadcast v49, $0xF  }
0xc9: {  	v53 =	vmov s23;
	v29 =	vbroadcast v29, $0xF;
	v22 =	vld.idx.msk [tilespmem:v50+s13+$0x0], $0xffff;
	v57 =	vadd.s32 $0x3, v17;
	v56, _, _ =	vpop (xrf2)  }
0xca: {  	v52 =	vadd.s32 $0x3, v23;
	vm12 =	veq.s32 v53, v0;
	v15 =	vsel vm0, v51, v15;
	v58, _, _ =	vpop (xrf2)  }
0xcb: {  	v28 =	vld.idx.msk [tilespmem:v28+s13+$0x0], $0xffff;
	s30 =	sadd.s32 $0x1, s19;
	v15 =	vsel vm12, v29, v15;
	v59 =	vmov s19;
	v35 =	vbroadcast v58, $0xF  }
0xcc: {  	v21 =	vld.idx.msk [tilespmem:v48+s13+$0x0], $0xffff;
	vm13 =	veq.s32 v59, v0;
	v60 =	vmov s30;
	v37 =	vbroadcast v56, $0xF  }
0xcd: {  	v61 =	vld.idx.msk [tilespmem:v54+s13+$0x0], $0xffff;
	vm14 =	veq.s32 v60, v0;
	v15 =	vsel vm13, v35, v15  }
0xce: {  	v47 =	vadd.s32 $0x3, v13;
	v6 =	vmul.f32 v22, v6;
	v31 =	vld.idx.msk [tilespmem:v57+s13+$0x0], $0xffff;
	v15 =	vsel vm14, v37, v15  }
0xcf: {  	v34 =	vld.idx.msk [tilespmem:v52+s13+$0x0], $0xffff;
	v62 =	vshra.s32 v15, $0x1;
	v63 =	vmul.f32 $5.000000000e-01, v15  }
0xd0: {  	v6 =	vsub.f32 v18, v6;
	v40 =	vld.idx.msk [tilespmem:v20+s13+$0x0], $0xffff;
	v41 =	vsub.s32 $0x5F3759DF, v62  }
0xd1: {  	v55 =	vld.idx.msk [tilespmem:v23+s13+$0x0], $0xffff;
	v43 =	vmul.f32 v41, v63  }
0xd2: {  	v6 =	vmul.f32 $1.442695020e+00, v6;
	v42 =	vld.idx.msk [tilespmem:v17+s13+$0x0], $0xffff;
	v44 =	vmul.f32 v21, v10  }
0xd3: {  	v32 =	vld.idx.msk [tilespmem:v47+s13+$0x0], $0xffff;
	v46 =	vmul.f32 v61, v11;
	v47 =	vmul.f32 v41, v43  }
0xd4: {  	v38 =	vmul.f32 v24, v9;
	v10 =	vsub.f32 v19, v44;
	v45 =	vmul.f32 v34, v14  }
0xd5: {  	v48 =	vmul.f32 v31, v8;
	v11 =	vsub.f32 v40, v46;
	v49 =	vsub.f32 $1.500000000e+00, v47  }
0xd6: {  	v50 =	vld.idx.msk [tilespmem:v13+s13+$0x0], $0xffff;
	v39 =	vmul.f32 v28, v12;
	v10 =	vmul.f32 $1.442695020e+00, v10;
	v14 =	vsub.f32 v55, v45  }
0xd7: {  	v7 =	vld.idx.msk [tilespmem:v7+s13+$0x0], $0xffff;
	v11 =	vmul.f32 $1.442695020e+00, v11;
	v51 =	vmul.f32 v41, v49  }
0xd8: {  	v8 =	vsub.f32 v42, v48;
	(erf) = vpow2.f32 v10;
	v14 =	vmul.f32 $1.442695020e+00, v14  }
0xd9: {  	v5 =	vmul.f32 v32, v5;
	v52 =	vmul.f32 v51, v63  }
0xda: {  	v12 =	vsub.f32 v16, v39;
	v8 =	vmul.f32 $1.442695020e+00, v8;
	(erf) = vpow2.f32 v14  }
0xdb: {  	v5 =	vsub.f32 v50, v5;
	(erf) = vpow2.f32 v11;
	v53 =	vmul.f32 v52, v51  }
0xdc: {  	v7 =	vsub.f32 v7, v38;
	v54 =	vmul.f32 $1.442695020e+00, v12;
	(erf) = vpow2.f32 v8  }
0xdd: {  	v5 =	vmul.f32 $1.442695020e+00, v5;
	(erf) = vpow2.f32 v6;
	v6 =	vsub.f32 $1.500000000e+00, v53  }
0xde: {  	v7 =	vmul.f32 $1.442695020e+00, v7;
	(erf) = vpow2.f32 v54  }
0xdf: {  	(erf) = vpow2.f32 v5;
	v5 =	vmul.f32 v6, v51;
	_ =	sdelay $0x1  }
0xe0: {  	v6 =	vpop (erf);
	(erf) = vpow2.f32 v7;
	v7 =	vmul.f32 v5, v63  }
0xe1: {  	s31 =	sshll.u32 s18, $0x4  }
0xe2: {  	s19 =	sand.u32 $0x3FFFFFF0, s31;
	v56 =	vpop (erf);
	v7 =	vmul.f32 v7, v5  }
0xe3: {  	v59 =	vld [tilespmem:s19+$0x10000];
	v57 =	vadd.f32 v30, v25;
	v9 =	vadd.f32 $0.0e+00, v56;
	v11 =	vpop (erf)  }
0xe4: {  	v55 =	vadd.f32 v27, v26;
	v58 =	vpop (erf);
	v7 =	vsub.f32 $1.500000000e+00, v7  }
0xe5: {  	v11 =	vadd.f32 $0.0e+00, v11;
	v9 =	vadd.f32 v58, v9  }
0xe6: {  	v4 =	vadd.f32 v57, v4;
	v8 =	vadd.f32 v33, v55;
	v60 =	vpop (erf)  }
0xe7: {  	s18 =	sadd.s32 $0x1, s18;
	v6 =	vadd.f32 v6, v11;
	v61 =	vpop (erf);
	v9 =	vadd.f32 v60, v9;
	v5 =	vmul.f32 v7, v5  }
0xe8: {  	p0 =	sne.s32 s18, $0x10;
	vm15 =	veq.s32 v59, $0x1;
	v4 =	vadd.f32 v8, v4;
	v7 =	vpop (erf)  }
.Ltmp1:
0xe9: {  	v6 =	vadd.f32 v61, v6;
	v5 =	vmul.f32 v5, v15;
	v7 =	vadd.f32 v7, v9;
	(pc) =	sbr.rel @p0 .LBB2_2-.Ltmp1, $3  }
0xea: {  	v63 =	vsel vm15, v3, v1;
	v62 =	vpop (erf)  }
0xeb: {  	v6 =	vadd.f32 v62, v6;
	v5 =	vmul.f32 v63, v5;
	v4 =	vadd.f32 v7, v4;
	_ =	sdelay $0x1  }
0xec: {  	s17 =	sadd.s32 $0x800, s17;
	s16 =	sadd.s32 $0x800, s16;
	v2 =	vsub.f32 v2, v5;
	v4 =	vadd.f32 v6, v4  }
0xed: {  	_ = 	snop  }
0xee: {  	v1 =	vadd.f32 v2, v4;
	_ =	sdelay $0x1  }
0xef: {  	s15 =	sadd.s32 $0x1, s15;
	v1 =	vmul.f32 $1.953125000e-03, v1  }
0xf0: {  	p0 =	sne.s32 s15, s9  }
.Ltmp2:
0xf1: {  	[tilespmem:$0x10180] =	vst v1;
	(pc) =	sbr.rel @p0 .LBB2_1-.Ltmp2, $4  }
0xf2: {  	[hbm4b:s8+s3] =	stream.linear.scatter [tilespmem:s14], [sflag:$0x1], $0x10, $0x38;
	[tilespmem:$0x10200] =	vst v63  }
0xf3: {  	_ =	swait.ge [sflag:s4], $0x10  }
0xf4: {  	[sflag:s4] =	ssyncset.done $0x0  }
0xf5: {  	[sflag:s4] =	ssyncadd.s32 $0xFFFFFFF0  }
0xf6: {  	_ =	sfence.sel $0x180000  }
0xf7: {  	[bflag:$0x0] =	sbarrier.arrive $0xFFFF  }
0xf8: {  	p0 =	sne.s32 s0, $0x0;
	_ =	strace $0x90000047  }
0xf9: {  	s0 =	sadd.s32 @!p0 $0x100000, s1;
	[bflag:$0x2] =	sbarrier.arrive $0xFFFF  }
0xfa: {  	[sflag:s0] =	ssyncadd.tile.s32 @!p0 $0x1;
	_ =	shalt  }
.Lfunc_end2:
_tile_overlayer_lowered:
.L_overlay_start_2:
0xfb: {  	(tag) =	ssettag $0x2  }
0xfc: {  	s0 =	rddreg [dreg:$0x0];
	s2 =	stileid.u32  }
0xfd: {  	s1 =	rddreg [dreg:$0x1];
	p0 =	sne.s32 s2, $0x0  }
0xfe: {  	s3 =	rddreg [dreg:$0x2];
	[bflag:$0x3] =	sbarrier.arrive $0xFFFF;
	s2 =	simm.s32 @!p0 $0x1C01  }
0xff: {  	[timem:s3], [sflag:s2] =	dma.local @!p0 [hbm:s0], s1  }
0x100: {  	s0 =	simm.s32 @!p0 $0x1  }
0x101: {  	_ =	swait.ge @!p0 [sflag:s0], s1  }
0x102: {  	s1 =	ssub.s32 @!p0 $0x0, s1;
	[sflag:s0] =	ssyncset.done @!p0 $0x0  }
0x103: {  	[sflag:s0] =	ssyncadd.s32 @!p0 s1  }
0x104: {  	[bflag:$0x3] =	sbarrier.arrive $0xFFFF  }
0x105: {  	_ =	shalt  }

</sc_bundles>
